<compile_context>
chip_gen: v7x
topology: tpu7x:2x2x1
jax: 0.10.2.dev20260603
libtpu: 0.0.44.dev20260713+nightly
codegen_flags: <defaults>
</compile_context>

<pallas_src>
import functools

import jax
import jax.numpy as jnp
from jax import lax
from jax.experimental import pallas as pl
from jax.experimental.pallas import tpu as pltpu
from jax.experimental.pallas import tpu_sc as plsc

N = 10000
E = 160000
D = 256

NSUB = 16
NCORE = 2
NWORKER = NCORE * NSUB
OWN = 313
NPAD = NWORKER * OWN
ACC_ROWS = 320
DUMMY = OWN
SCHUNK = 4000
NSCHUNK = E // SCHUNK
GCHUNK = 64
CBUF = SCHUNK + 2 * GCHUNK
MAGIC = (1 << 25) // OWN + 1
SHIFT = 25


def _sc_scatter_body(dst_hbm, m_hbm, zero_hbm, out_hbm,
                     dst_v, comp_v, gidx_v, lsp_v, stage_v, acc_v):
    c = lax.axis_index("c")
    s = lax.axis_index("s")
    w = c * NSUB + s

    pltpu.sync_copy(zero_hbm, acc_v)

    lanes = lax.iota(jnp.int32, 16)
    row_base = w * OWN
    gdn = lax.GatherDimensionNumbers(
        offset_dims=(), collapsed_slice_dims=(0,), start_index_map=(0,))
    kvecs = [jnp.full((16,), k, jnp.int32) for k in range(16)]
    rvecs = [jnp.full((16,), r, jnp.int32) for r in range(GCHUNK)]

    def scan_chunk(ch, _):
        pltpu.sync_copy(dst_hbm.at[pl.ds(ch * SCHUNK, SCHUNK)], dst_v)

        def compact(j, cnt):
            v = dst_v[pl.ds(j * 16, 16)]
            loc = v - row_base
            ok = (loc >= 0) & (loc < OWN)
            oki = jnp.where(ok, 1, 0)
            nm = jnp.sum(oki)
            packed = (((ch * SCHUNK + j * 16) + lanes) << 9) | jnp.where(
                ok, loc, DUMMY)
            key = lanes + 16 * (1 - oki)
            _, sv = plsc.sort_key_val(key, packed)
            comp_v[pl.ds(cnt, 16)] = sv
            return cnt + nm

        cnt = lax.fori_loop(0, SCHUNK // 16, compact, jnp.int32(0))

        def pad(j, _):
            comp_v[pl.ds(cnt + j * 16, 16)] = (((j * 16) + lanes) << 9) | DUMMY
            return _

        lax.fori_loop(0, GCHUNK // 16, pad, None)
        nq = (cnt + GCHUNK - 1) // GCHUNK

        def gather_acc(q, _):
            for t in range(GCHUNK // 16):
                pv = comp_v[pl.ds(q * GCHUNK + t * 16, 16)]
                gidx_v[pl.ds(t * 16, 16)] = lax.shift_right_logical(pv, 9)
            pltpu.sync_copy(m_hbm.at[gidx_v], stage_v)

            @functools.partial(plsc.parallel_loop, 0, GCHUNK // 16)
            def make_lsp(t):
                pv = comp_v[pl.ds(q * GCHUNK + t * 16, 16)]
                locv = pv & 511
                for k in range(16):
                    lsp = lax.gather(
                        locv, kvecs[k][:, None], gdn, slice_sizes=(1,),
                        mode=lax.GatherScatterMode.PROMISE_IN_BOUNDS)
                    lsp_v[pl.ds((t * 16 + k) * 16, 16)] = lsp

            @functools.partial(plsc.parallel_loop, 0, D // 16)
            def acc_cols(j):
                cj = lanes + 16 * j
                for r in range(GCHUNK):
                    lsp = lsp_v[pl.ds(r * 16, 16)]
                    v = plsc.load_gather(stage_v, [rvecs[r], cj])
                    plsc.addupdate_scatter(acc_v, [lsp, cj], v)

            return _

        lax.fori_loop(0, nq, gather_acc, None)
        return _

    lax.fori_loop(0, NSCHUNK, scan_chunk, None)

    pltpu.sync_copy(acc_v, out_hbm.at[w])


_sc_scatter = functools.partial(
    pl.kernel,
    out_type=jax.ShapeDtypeStruct((NWORKER, ACC_ROWS, D), jnp.float32),
    mesh=plsc.VectorSubcoreMesh(core_axis_name="c", subcore_axis_name="s"),
    compiler_params=pltpu.CompilerParams(needs_layout_passes=False),
    scratch_types=[
        pltpu.VMEM((SCHUNK,), jnp.int32),
        pltpu.VMEM((CBUF,), jnp.int32),
        pltpu.VMEM((GCHUNK,), jnp.int32),
        pltpu.VMEM((GCHUNK * 16,), jnp.int32),
        pltpu.VMEM((GCHUNK, D), jnp.float32),
        pltpu.VMEM((ACC_ROWS, D), jnp.float32),
    ],
)(_sc_scatter_body)


ROWS_BLK = 1000


def _gru_body(agg_ref, h_ref, wih_ref, whh_ref, bih_ref, bhh_ref, out_ref):
    agg = agg_ref[...]
    h = h_ref[...]
    gi = jnp.dot(agg, wih_ref[...], preferred_element_type=jnp.float32)
    gi = gi + bih_ref[...]
    gh = jnp.dot(h, whh_ref[...], preferred_element_type=jnp.float32)
    gh = gh + bhh_ref[...]
    r = jax.nn.sigmoid(gi[:, :D] + gh[:, :D])
    z = jax.nn.sigmoid(gi[:, D:2 * D] + gh[:, D:2 * D])
    n = jnp.tanh(gi[:, 2 * D:] + r * gh[:, 2 * D:])
    out_ref[...] = (1.0 - z) * n + z * h


def _gru(agg, h, wih, whh, bih, bhh):
    grid = (N // ROWS_BLK,)
    return pl.pallas_call(
        _gru_body,
        grid=grid,
        in_specs=[
            pl.BlockSpec((ROWS_BLK, D), lambda i: (i, 0)),
            pl.BlockSpec((ROWS_BLK, D), lambda i: (i, 0)),
            pl.BlockSpec((D, 3 * D), lambda i: (0, 0)),
            pl.BlockSpec((D, 3 * D), lambda i: (0, 0)),
            pl.BlockSpec((1, 3 * D), lambda i: (0, 0)),
            pl.BlockSpec((1, 3 * D), lambda i: (0, 0)),
        ],
        out_specs=pl.BlockSpec((ROWS_BLK, D), lambda i: (i, 0)),
        out_shape=jax.ShapeDtypeStruct((N, D), jnp.float32),
    )(agg, h, wih, whh, bih, bhh)


def kernel(h, m, dst, W_ih, W_hh, b_ih, b_hh):
    dst_i32 = dst.astype(jnp.int32)
    zero = jnp.zeros((ACC_ROWS, D), jnp.float32)
    agg = _sc_scatter(dst_i32, m, zero)[:, :OWN].reshape(NPAD, D)[:N]
    return _gru(agg, h, W_ih.T, W_hh.T,
                b_ih.reshape(1, -1), b_hh.reshape(1, -1))

# --- scband reference (transcript-rebuilt; emitter-appended) ---
"""Pipeline reference for scband-update-function-71803263254790 (READ-ONLY COPY).

The authoritative reference and input builder live on the scoring server;
editing this copy changes nothing except your own understanding.
"""

import jax, jax.numpy as jnp
import numpy as np

N = 10000
E = 160000
D = 256

def setup_inputs(seed: int = 0) -> dict:
    key = jax.random.key(seed)
    k1, k2, k3, k4, k5, k6, k7 = jax.random.split(key, 7)
    h = jax.random.normal(k1, (N, D), dtype=jnp.float32)
    m = jax.random.normal(k2, (E, D), dtype=jnp.float32)
    dst = jax.random.randint(k3, (E,), 0, N, dtype=jnp.int64)
    # GRUCell parameters, PyTorch layout: weight_ih [3D, D] stacked (r, z, n)
    bound = 1.0 / np.sqrt(D)
    W_ih = jax.random.uniform(k4, (3 * D, D), minval=-bound, maxval=bound, dtype=jnp.float32)
    W_hh = jax.random.uniform(k5, (3 * D, D), minval=-bound, maxval=bound, dtype=jnp.float32)
    b_ih = jax.random.uniform(k6, (3 * D,), minval=-bound, maxval=bound, dtype=jnp.float32)
    b_hh = jax.random.uniform(k7, (3 * D,), minval=-bound, maxval=bound, dtype=jnp.float32)
    return {"h": h, "m": m, "dst": dst, "W_ih": W_ih, "W_hh": W_hh, "b_ih": b_ih, "b_hh": b_hh}

def reference(h, m, dst, W_ih, W_hh, b_ih, b_hh):
    # agg = zeros_like(h); agg.index_add_(0, dst, m)
    agg = jnp.zeros_like(h).at[dst].add(m)
    # PyTorch GRUCell: gates stacked as (r, z, n)
    gi = agg @ W_ih.T + b_ih
    gh = h @ W_hh.T + b_hh
    i_r, i_z, i_n = jnp.split(gi, 3, axis=1)
    h_r, h_z, h_n = jnp.split(gh, 3, axis=1)
    r = jax.nn.sigmoid(i_r + h_r)
    z = jax.nn.sigmoid(i_z + h_z)
    n = jnp.tanh(i_n + r * h_n)
    h_new = (1.0 - z) * n + z * h
    return h_new

if __name__ == "__main__":
    import jax
    _d = setup_inputs()
    print(jax.jit(kernel)(*tuple(_d.values())))

</pallas_src>

<mosaic_0001>
#map = affine_map<(d0, d1) -> (0)>
#map1 = affine_map<(d0, d1) -> (0, 0)>
#map2 = affine_map<(d0, d1) -> (0, 0, 0)>
module attributes {stable_mosaic.version = 14 : i64} {
  func.func @_sc_scatter_body(%arg0: i32, %arg1: i32, %arg2: memref<160000xi32, #tpu.memory_space<hbm>>, %arg3: memref<160000x256xf32, #tpu.memory_space<hbm>>, %arg4: memref<320x256xf32, #tpu.memory_space<hbm>>, %arg5: memref<32x320x256xf32, #tpu.memory_space<hbm>>, %arg6: memref<4000xi32, #tpu.memory_space<vmem>>, %arg7: memref<4128xi32, #tpu.memory_space<vmem>>, %arg8: memref<64xi32, #tpu.memory_space<vmem>>, %arg9: memref<1024xi32, #tpu.memory_space<vmem>>, %arg10: memref<64x256xf32, #tpu.memory_space<vmem>>, %arg11: memref<320x256xf32, #tpu.memory_space<vmem>>) attributes {dimension_semantics = [#tpu.dimension_semantics<core_parallel>, #tpu.dimension_semantics<subcore_parallel>], iteration_bounds = array<i64: 2, 16>, scalar_prefetch = 0 : i64, scratch_operands = 6 : i64, tpu.core_type = #tpu.core_type<sc_vector_subcore>, window_params = [{transform_indices = #map}, {transform_indices = #map1}, {transform_indices = #map1}, {transform_indices = #map2}]} {
    %mul3A = arith.constant 16 : i32
    %mul3A_0 = arith.muli %arg0, %mul3A : i32
    %add3A = arith.addi %mul3A_0, %arg1 : i32
    "tpu.region"() ({
      %run_scoped3A = tpu.sem_alloc : memref<!tpu.dma_semaphore, #tpu.memory_space<semaphore_mem>>
      tpu.enqueue_dma source(%arg4 : memref<320x256xf32, #tpu.memory_space<hbm>>) target(%arg11 : memref<320x256xf32, #tpu.memory_space<vmem>>) target_semaphore(%run_scoped3A : memref<!tpu.dma_semaphore, #tpu.memory_space<semaphore_mem>>)
      tpu.wait_dma2 semaphore(%run_scoped3A : memref<!tpu.dma_semaphore, #tpu.memory_space<semaphore_mem>>) src(%arg4 : memref<320x256xf32, #tpu.memory_space<hbm>>) dst(%arg11 : memref<320x256xf32, #tpu.memory_space<vmem>>)
      tpu.yield
    }) : () -> ()
    %iota3A = tpu.iota {dimensions = array<i32: 0>} : vector<16xi32>
    %mul3A_1 = arith.constant 313 : i32
    %mul3A_2 = arith.muli %add3A, %mul3A_1 : i32
    %broadcast_in_dim3A = arith.constant 0 : i32
    %broadcast_in_dim3A_3 = vector.broadcast %broadcast_in_dim3A : i32 to vector<16xi32>
    %broadcast_in_dim3A_4 = arith.constant 1 : i32
    %broadcast_in_dim3A_5 = vector.broadcast %broadcast_in_dim3A_4 : i32 to vector<16xi32>
    %broadcast_in_dim3A_6 = arith.constant 2 : i32
    %broadcast_in_dim3A_7 = vector.broadcast %broadcast_in_dim3A_6 : i32 to vector<16xi32>
    %broadcast_in_dim3A_8 = arith.constant 3 : i32
    %broadcast_in_dim3A_9 = vector.broadcast %broadcast_in_dim3A_8 : i32 to vector<16xi32>
    %broadcast_in_dim3A_10 = arith.constant 4 : i32
    %broadcast_in_dim3A_11 = vector.broadcast %broadcast_in_dim3A_10 : i32 to vector<16xi32>
    %broadcast_in_dim3A_12 = arith.constant 5 : i32
    %broadcast_in_dim3A_13 = vector.broadcast %broadcast_in_dim3A_12 : i32 to vector<16xi32>
    %broadcast_in_dim3A_14 = arith.constant 6 : i32
    %broadcast_in_dim3A_15 = vector.broadcast %broadcast_in_dim3A_14 : i32 to vector<16xi32>
    %broadcast_in_dim3A_16 = arith.constant 7 : i32
    %broadcast_in_dim3A_17 = vector.broadcast %broadcast_in_dim3A_16 : i32 to vector<16xi32>
    %broadcast_in_dim3A_18 = arith.constant 8 : i32
    %broadcast_in_dim3A_19 = vector.broadcast %broadcast_in_dim3A_18 : i32 to vector<16xi32>
    %broadcast_in_dim3A_20 = arith.constant 9 : i32
    %broadcast_in_dim3A_21 = vector.broadcast %broadcast_in_dim3A_20 : i32 to vector<16xi32>
    %broadcast_in_dim3A_22 = arith.constant 10 : i32
    %broadcast_in_dim3A_23 = vector.broadcast %broadcast_in_dim3A_22 : i32 to vector<16xi32>
    %broadcast_in_dim3A_24 = arith.constant 11 : i32
    %broadcast_in_dim3A_25 = vector.broadcast %broadcast_in_dim3A_24 : i32 to vector<16xi32>
    %broadcast_in_dim3A_26 = arith.constant 12 : i32
    %broadcast_in_dim3A_27 = vector.broadcast %broadcast_in_dim3A_26 : i32 to vector<16xi32>
    %broadcast_in_dim3A_28 = arith.constant 13 : i32
    %broadcast_in_dim3A_29 = vector.broadcast %broadcast_in_dim3A_28 : i32 to vector<16xi32>
    %broadcast_in_dim3A_30 = arith.constant 14 : i32
    %broadcast_in_dim3A_31 = vector.broadcast %broadcast_in_dim3A_30 : i32 to vector<16xi32>
    %broadcast_in_dim3A_32 = arith.constant 15 : i32
    %broadcast_in_dim3A_33 = vector.broadcast %broadcast_in_dim3A_32 : i32 to vector<16xi32>
    %broadcast_in_dim3A_34 = arith.constant 0 : i32
    %broadcast_in_dim3A_35 = vector.broadcast %broadcast_in_dim3A_34 : i32 to vector<16xi32>
    %broadcast_in_dim3A_36 = arith.constant 1 : i32
    %broadcast_in_dim3A_37 = vector.broadcast %broadcast_in_dim3A_36 : i32 to vector<16xi32>
    %broadcast_in_dim3A_38 = arith.constant 2 : i32
    %broadcast_in_dim3A_39 = vector.broadcast %broadcast_in_dim3A_38 : i32 to vector<16xi32>
    %broadcast_in_dim3A_40 = arith.constant 3 : i32
    %broadcast_in_dim3A_41 = vector.broadcast %broadcast_in_dim3A_40 : i32 to vector<16xi32>
    %broadcast_in_dim3A_42 = arith.constant 4 : i32
    %broadcast_in_dim3A_43 = vector.broadcast %broadcast_in_dim3A_42 : i32 to vector<16xi32>
    %broadcast_in_dim3A_44 = arith.constant 5 : i32
    %broadcast_in_dim3A_45 = vector.broadcast %broadcast_in_dim3A_44 : i32 to vector<16xi32>
    %broadcast_in_dim3A_46 = arith.constant 6 : i32
    %broadcast_in_dim3A_47 = vector.broadcast %broadcast_in_dim3A_46 : i32 to vector<16xi32>
    %broadcast_in_dim3A_48 = arith.constant 7 : i32
    %broadcast_in_dim3A_49 = vector.broadcast %broadcast_in_dim3A_48 : i32 to vector<16xi32>
    %broadcast_in_dim3A_50 = arith.constant 8 : i32
    %broadcast_in_dim3A_51 = vector.broadcast %broadcast_in_dim3A_50 : i32 to vector<16xi32>
    %broadcast_in_dim3A_52 = arith.constant 9 : i32
    %broadcast_in_dim3A_53 = vector.broadcast %broadcast_in_dim3A_52 : i32 to vector<16xi32>
    %broadcast_in_dim3A_54 = arith.constant 10 : i32
    %broadcast_in_dim3A_55 = vector.broadcast %broadcast_in_dim3A_54 : i32 to vector<16xi32>
    %broadcast_in_dim3A_56 = arith.constant 11 : i32
    %broadcast_in_dim3A_57 = vector.broadcast %broadcast_in_dim3A_56 : i32 to vector<16xi32>
    %broadcast_in_dim3A_58 = arith.constant 12 : i32
    %broadcast_in_dim3A_59 = vector.broadcast %broadcast_in_dim3A_58 : i32 to vector<16xi32>
    %broadcast_in_dim3A_60 = arith.constant 13 : i32
    %broadcast_in_dim3A_61 = vector.broadcast %broadcast_in_dim3A_60 : i32 to vector<16xi32>
    %broadcast_in_dim3A_62 = arith.constant 14 : i32
    %broadcast_in_dim3A_63 = vector.broadcast %broadcast_in_dim3A_62 : i32 to vector<16xi32>
    %broadcast_in_dim3A_64 = arith.constant 15 : i32
    %broadcast_in_dim3A_65 = vector.broadcast %broadcast_in_dim3A_64 : i32 to vector<16xi32>
    %broadcast_in_dim3A_66 = arith.constant 16 : i32
    %broadcast_in_dim3A_67 = vector.broadcast %broadcast_in_dim3A_66 : i32 to vector<16xi32>
    %broadcast_in_dim3A_68 = arith.constant 17 : i32
    %broadcast_in_dim3A_69 = vector.broadcast %broadcast_in_dim3A_68 : i32 to vector<16xi32>
    %broadcast_in_dim3A_70 = arith.constant 18 : i32
    %broadcast_in_dim3A_71 = vector.broadcast %broadcast_in_dim3A_70 : i32 to vector<16xi32>
    %broadcast_in_dim3A_72 = arith.constant 19 : i32
    %broadcast_in_dim3A_73 = vector.broadcast %broadcast_in_dim3A_72 : i32 to vector<16xi32>
    %broadcast_in_dim3A_74 = arith.constant 20 : i32
    %broadcast_in_dim3A_75 = vector.broadcast %broadcast_in_dim3A_74 : i32 to vector<16xi32>
    %broadcast_in_dim3A_76 = arith.constant 21 : i32
    %broadcast_in_dim3A_77 = vector.broadcast %broadcast_in_dim3A_76 : i32 to vector<16xi32>
    %broadcast_in_dim3A_78 = arith.constant 22 : i32
    %broadcast_in_dim3A_79 = vector.broadcast %broadcast_in_dim3A_78 : i32 to vector<16xi32>
    %broadcast_in_dim3A_80 = arith.constant 23 : i32
    %broadcast_in_dim3A_81 = vector.broadcast %broadcast_in_dim3A_80 : i32 to vector<16xi32>
    %broadcast_in_dim3A_82 = arith.constant 24 : i32
    %broadcast_in_dim3A_83 = vector.broadcast %broadcast_in_dim3A_82 : i32 to vector<16xi32>
    %broadcast_in_dim3A_84 = arith.constant 25 : i32
    %broadcast_in_dim3A_85 = vector.broadcast %broadcast_in_dim3A_84 : i32 to vector<16xi32>
    %broadcast_in_dim3A_86 = arith.constant 26 : i32
    %broadcast_in_dim3A_87 = vector.broadcast %broadcast_in_dim3A_86 : i32 to vector<16xi32>
    %broadcast_in_dim3A_88 = arith.constant 27 : i32
    %broadcast_in_dim3A_89 = vector.broadcast %broadcast_in_dim3A_88 : i32 to vector<16xi32>
    %broadcast_in_dim3A_90 = arith.constant 28 : i32
    %broadcast_in_dim3A_91 = vector.broadcast %broadcast_in_dim3A_90 : i32 to vector<16xi32>
    %broadcast_in_dim3A_92 = arith.constant 29 : i32
    %broadcast_in_dim3A_93 = vector.broadcast %broadcast_in_dim3A_92 : i32 to vector<16xi32>
    %broadcast_in_dim3A_94 = arith.constant 30 : i32
    %broadcast_in_dim3A_95 = vector.broadcast %broadcast_in_dim3A_94 : i32 to vector<16xi32>
    %broadcast_in_dim3A_96 = arith.constant 31 : i32
    %broadcast_in_dim3A_97 = vector.broadcast %broadcast_in_dim3A_96 : i32 to vector<16xi32>
    %broadcast_in_dim3A_98 = arith.constant 32 : i32
    %broadcast_in_dim3A_99 = vector.broadcast %broadcast_in_dim3A_98 : i32 to vector<16xi32>
    %broadcast_in_dim3A_100 = arith.constant 33 : i32
    %broadcast_in_dim3A_101 = vector.broadcast %broadcast_in_dim3A_100 : i32 to vector<16xi32>
    %broadcast_in_dim3A_102 = arith.constant 34 : i32
    %broadcast_in_dim3A_103 = vector.broadcast %broadcast_in_dim3A_102 : i32 to vector<16xi32>
    %broadcast_in_dim3A_104 = arith.constant 35 : i32
    %broadcast_in_dim3A_105 = vector.broadcast %broadcast_in_dim3A_104 : i32 to vector<16xi32>
    %broadcast_in_dim3A_106 = arith.constant 36 : i32
    %broadcast_in_dim3A_107 = vector.broadcast %broadcast_in_dim3A_106 : i32 to vector<16xi32>
    %broadcast_in_dim3A_108 = arith.constant 37 : i32
    %broadcast_in_dim3A_109 = vector.broadcast %broadcast_in_dim3A_108 : i32 to vector<16xi32>
    %broadcast_in_dim3A_110 = arith.constant 38 : i32
    %broadcast_in_dim3A_111 = vector.broadcast %broadcast_in_dim3A_110 : i32 to vector<16xi32>
    %broadcast_in_dim3A_112 = arith.constant 39 : i32
    %broadcast_in_dim3A_113 = vector.broadcast %broadcast_in_dim3A_112 : i32 to vector<16xi32>
    %broadcast_in_dim3A_114 = arith.constant 40 : i32
    %broadcast_in_dim3A_115 = vector.broadcast %broadcast_in_dim3A_114 : i32 to vector<16xi32>
    %broadcast_in_dim3A_116 = arith.constant 41 : i32
    %broadcast_in_dim3A_117 = vector.broadcast %broadcast_in_dim3A_116 : i32 to vector<16xi32>
    %broadcast_in_dim3A_118 = arith.constant 42 : i32
    %broadcast_in_dim3A_119 = vector.broadcast %broadcast_in_dim3A_118 : i32 to vector<16xi32>
    %broadcast_in_dim3A_120 = arith.constant 43 : i32
    %broadcast_in_dim3A_121 = vector.broadcast %broadcast_in_dim3A_120 : i32 to vector<16xi32>
    %broadcast_in_dim3A_122 = arith.constant 44 : i32
    %broadcast_in_dim3A_123 = vector.broadcast %broadcast_in_dim3A_122 : i32 to vector<16xi32>
    %broadcast_in_dim3A_124 = arith.constant 45 : i32
    %broadcast_in_dim3A_125 = vector.broadcast %broadcast_in_dim3A_124 : i32 to vector<16xi32>
    %broadcast_in_dim3A_126 = arith.constant 46 : i32
    %broadcast_in_dim3A_127 = vector.broadcast %broadcast_in_dim3A_126 : i32 to vector<16xi32>
    %broadcast_in_dim3A_128 = arith.constant 47 : i32
    %broadcast_in_dim3A_129 = vector.broadcast %broadcast_in_dim3A_128 : i32 to vector<16xi32>
    %broadcast_in_dim3A_130 = arith.constant 48 : i32
    %broadcast_in_dim3A_131 = vector.broadcast %broadcast_in_dim3A_130 : i32 to vector<16xi32>
    %broadcast_in_dim3A_132 = arith.constant 49 : i32
    %broadcast_in_dim3A_133 = vector.broadcast %broadcast_in_dim3A_132 : i32 to vector<16xi32>
    %broadcast_in_dim3A_134 = arith.constant 50 : i32
    %broadcast_in_dim3A_135 = vector.broadcast %broadcast_in_dim3A_134 : i32 to vector<16xi32>
    %broadcast_in_dim3A_136 = arith.constant 51 : i32
    %broadcast_in_dim3A_137 = vector.broadcast %broadcast_in_dim3A_136 : i32 to vector<16xi32>
    %broadcast_in_dim3A_138 = arith.constant 52 : i32
    %broadcast_in_dim3A_139 = vector.broadcast %broadcast_in_dim3A_138 : i32 to vector<16xi32>
    %broadcast_in_dim3A_140 = arith.constant 53 : i32
    %broadcast_in_dim3A_141 = vector.broadcast %broadcast_in_dim3A_140 : i32 to vector<16xi32>
    %broadcast_in_dim3A_142 = arith.constant 54 : i32
    %broadcast_in_dim3A_143 = vector.broadcast %broadcast_in_dim3A_142 : i32 to vector<16xi32>
    %broadcast_in_dim3A_144 = arith.constant 55 : i32
    %broadcast_in_dim3A_145 = vector.broadcast %broadcast_in_dim3A_144 : i32 to vector<16xi32>
    %broadcast_in_dim3A_146 = arith.constant 56 : i32
    %broadcast_in_dim3A_147 = vector.broadcast %broadcast_in_dim3A_146 : i32 to vector<16xi32>
    %broadcast_in_dim3A_148 = arith.constant 57 : i32
    %broadcast_in_dim3A_149 = vector.broadcast %broadcast_in_dim3A_148 : i32 to vector<16xi32>
    %broadcast_in_dim3A_150 = arith.constant 58 : i32
    %broadcast_in_dim3A_151 = vector.broadcast %broadcast_in_dim3A_150 : i32 to vector<16xi32>
    %broadcast_in_dim3A_152 = arith.constant 59 : i32
    %broadcast_in_dim3A_153 = vector.broadcast %broadcast_in_dim3A_152 : i32 to vector<16xi32>
    %broadcast_in_dim3A_154 = arith.constant 60 : i32
    %broadcast_in_dim3A_155 = vector.broadcast %broadcast_in_dim3A_154 : i32 to vector<16xi32>
    %broadcast_in_dim3A_156 = arith.constant 61 : i32
    %broadcast_in_dim3A_157 = vector.broadcast %broadcast_in_dim3A_156 : i32 to vector<16xi32>
    %broadcast_in_dim3A_158 = arith.constant 62 : i32
    %broadcast_in_dim3A_159 = vector.broadcast %broadcast_in_dim3A_158 : i32 to vector<16xi32>
    %broadcast_in_dim3A_160 = arith.constant 63 : i32
    %broadcast_in_dim3A_161 = vector.broadcast %broadcast_in_dim3A_160 : i32 to vector<16xi32>
    %scan3A = arith.constant 0 : i32
    %scan3A_162 = arith.constant 40 : i32
    %scan3A_163 = arith.addi %scan3A, %scan3A_162 : i32
    %scan3A_164 = arith.constant 1 : i32
    scf.for %scan3A_166 = %scan3A to %scan3A_163 step %scan3A_164  : i32 {
      %mul3A_167 = arith.constant 4000 : i32
      %mul3A_168 = arith.muli %scan3A_166, %mul3A_167 : i32
      "tpu.region"() ({
        %run_scoped3A = tpu.sem_alloc : memref<!tpu.dma_semaphore, #tpu.memory_space<semaphore_mem>>
        %dma_start3A = tpu.memref_slice %arg2[%mul3A_168] : memref<160000xi32, #tpu.memory_space<hbm>> -> memref<4000xi32, #tpu.memory_space<hbm>>
        %dma_start3A_209 = tpu.memref_slice %arg2[%mul3A_168] : memref<160000xi32, #tpu.memory_space<hbm>> -> memref<4000xi32, #tpu.memory_space<hbm>>
        tpu.enqueue_dma source(%dma_start3A_209 : memref<4000xi32, #tpu.memory_space<hbm>>) target(%arg6 : memref<4000xi32, #tpu.memory_space<vmem>>) target_semaphore(%run_scoped3A : memref<!tpu.dma_semaphore, #tpu.memory_space<semaphore_mem>>)
        %dma_wait3A = tpu.memref_slice %arg2[%mul3A_168] : memref<160000xi32, #tpu.memory_space<hbm>> -> memref<4000xi32, #tpu.memory_space<hbm>>
        %dma_wait3A_210 = tpu.memref_slice %arg2[%mul3A_168] : memref<160000xi32, #tpu.memory_space<hbm>> -> memref<4000xi32, #tpu.memory_space<hbm>>
        tpu.wait_dma2 semaphore(%run_scoped3A : memref<!tpu.dma_semaphore, #tpu.memory_space<semaphore_mem>>) src(%dma_wait3A_210 : memref<4000xi32, #tpu.memory_space<hbm>>) dst(%arg6 : memref<4000xi32, #tpu.memory_space<vmem>>)
        tpu.yield
      }) : () -> ()
      %scan3A_169 = arith.constant 0 : i32
      %scan3A_170 = arith.constant 0 : i32
      %scan3A_171 = arith.constant 250 : i32
      %scan3A_172 = arith.addi %scan3A_170, %scan3A_171 : i32
      %scan3A_173 = arith.constant 1 : i32
      %scan3A_174 = scf.for %scan3A_209 = %scan3A_170 to %scan3A_172 step %scan3A_173 iter_args(%scan3A_210 = %scan3A_169) -> (i32)  : i32 {
        %mul3A_211 = arith.constant 16 : i32
        %mul3A_212 = arith.muli %scan3A_209, %mul3A_211 : i32
        %get3A = arith.index_cast %mul3A_212 : i32 to index
        %get3A_213 = tpu.vector_load %arg6[%get3A] {strides = array<i32>} : memref<4000xi32, #tpu.memory_space<vmem>>, vector<16xi32>,
        %sub3A_214 = vector.broadcast %mul3A_2 : i32 to vector<16xi32>
        %sub3A_215 = arith.subi %get3A_213, %sub3A_214 : vector<16xi32>
        %ge3A = arith.constant 0 : i32
        %ge3A_216 = vector.broadcast %ge3A : i32 to vector<16xi32>
        %ge3A_217 = arith.cmpi sge, %sub3A_215, %ge3A_216 : vector<16xi32>
        %lt3A = arith.constant 313 : i32
        %lt3A_218 = vector.broadcast %lt3A : i32 to vector<16xi32>
        %lt3A_219 = arith.cmpi slt, %sub3A_215, %lt3A_218 : vector<16xi32>
        %and3A_220 = arith.andi %ge3A_217, %lt3A_219 : vector<16xi1>
        %jit3A_221 = arith.constant 1 : i32
        %jit3A_222 = arith.constant 0 : i32
        %broadcast_in_dim3A_223 = vector.broadcast %jit3A_221 : i32 to vector<16xi32>
        %broadcast_in_dim3A_224 = vector.broadcast %jit3A_222 : i32 to vector<16xi32>
        %select_n3A_225 = arith.select %and3A_220, %broadcast_in_dim3A_223, %broadcast_in_dim3A_224 : vector<16xi1>, vector<16xi32>
        %reduce_sum3A = arith.constant true
        %reduce_sum3A_226 = vector.broadcast %reduce_sum3A : i1 to vector<16xi1>
        %reduce_sum3A_227 = tpu.scan <sum>, %select_n3A_225 masked %reduce_sum3A_226 : vector<16xi32>, vector<16xi1> -> vector<16xi32>
        %reduce_sum3A_228 = vector.extract %reduce_sum3A_227[15] : i32 from vector<16xi32>
        %mul3A_229 = arith.constant 4000 : i32
        %mul3A_230 = arith.muli %scan3A_166, %mul3A_229 : i32
        %mul3A_231 = arith.constant 16 : i32
        %mul3A_232 = arith.muli %scan3A_209, %mul3A_231 : i32
        %add3A_233 = arith.addi %mul3A_230, %mul3A_232 : i32
        %add3A_234 = vector.broadcast %add3A_233 : i32 to vector<16xi32>
        %add3A_235 = arith.addi %add3A_234, %iota3A : vector<16xi32>
        %shift_left3A = arith.constant 9 : i32
        %shift_left3A_236 = vector.broadcast %shift_left3A : i32 to vector<16xi32>
        %shift_left3A_237 = arith.shli %add3A_235, %shift_left3A_236 : vector<16xi32>
        %jit3A_238 = arith.constant 313 : i32
        %broadcast_in_dim3A_239 = vector.broadcast %jit3A_238 : i32 to vector<16xi32>
        %select_n3A_240 = arith.select %and3A_220, %sub3A_215, %broadcast_in_dim3A_239 : vector<16xi1>, vector<16xi32>
        %or3A = arith.ori %shift_left3A_237, %select_n3A_240 : vector<16xi32>
        %sub3A_241 = arith.constant 1 : i32
        %sub3A_242 = vector.broadcast %sub3A_241 : i32 to vector<16xi32>
        %sub3A_243 = arith.subi %sub3A_242, %select_n3A_225 : vector<16xi32>
        %mul3A_244 = arith.constant 16 : i32
        %mul3A_245 = vector.broadcast %mul3A_244 : i32 to vector<16xi32>
        %mul3A_246 = arith.muli %mul3A_245, %sub3A_243 : vector<16xi32>
        %add3A_247 = arith.addi %iota3A, %mul3A_246 : vector<16xi32>
        %masked_sort3A = arith.constant dense<true> : vector<16xi1>
        %masked_sort3A_248 = arith.constant -2147483648 : i32
        %masked_sort3A_249 = vector.broadcast %masked_sort3A_248 : i32 to vector<16xi32>
        %masked_sort3A_250 = arith.xori %add3A_247, %masked_sort3A_249 : vector<16xi32>
        %masked_sort3A_251, %masked_sort3A_252, %masked_sort3A_253 = tpu.sort %masked_sort3A_250, %or3A masked %masked_sort3A : (vector<16xi32>, vector<16xi32>, vector<16xi1>) -> (vector<16xi1>, vector<16xi32>, vector<16xi32>)
        %masked_sort3A_254 = arith.xori %masked_sort3A_252, %masked_sort3A_249 : vector<16xi32>
        %swap3A = arith.index_cast %scan3A_210 : i32 to index
        %swap3A_255 = tpu.vector_load %arg7[%swap3A] {strides = array<i32>} : memref<4128xi32, #tpu.memory_space<vmem>>, vector<16xi32>,
        tpu.vector_store %arg7[%swap3A], %masked_sort3A_253 {strides = array<i32>} : memref<4128xi32, #tpu.memory_space<vmem>>, vector<16xi32>,
        %add3A_256 = arith.addi %scan3A_210, %reduce_sum3A_228 : i32
        scf.yield %add3A_256 : i32
      }
      %scan3A_175 = arith.constant 250 : i32
      %scan3A_176 = arith.constant 0 : i32
      %scan3A_177 = arith.constant 4 : i32
      %scan3A_178 = arith.addi %scan3A_176, %scan3A_177 : i32
      %scan3A_179 = arith.constant 1 : i32
      scf.for %scan3A_209 = %scan3A_176 to %scan3A_178 step %scan3A_179  : i32 {
        %mul3A_210 = arith.constant 16 : i32
        %mul3A_211 = arith.muli %scan3A_209, %mul3A_210 : i32
        %add3A_212 = vector.broadcast %mul3A_211 : i32 to vector<16xi32>
        %add3A_213 = arith.addi %add3A_212, %iota3A : vector<16xi32>
        %shift_left3A = arith.constant 9 : i32
        %shift_left3A_214 = vector.broadcast %shift_left3A : i32 to vector<16xi32>
        %shift_left3A_215 = arith.shli %add3A_213, %shift_left3A_214 : vector<16xi32>
        %or3A = arith.constant 313 : i32
        %or3A_216 = vector.broadcast %or3A : i32 to vector<16xi32>
        %or3A_217 = arith.ori %shift_left3A_215, %or3A_216 : vector<16xi32>
        %mul3A_218 = arith.constant 16 : i32
        %mul3A_219 = arith.muli %scan3A_209, %mul3A_218 : i32
        %add3A_220 = arith.addi %scan3A_174, %mul3A_219 : i32
        %swap3A = arith.index_cast %add3A_220 : i32 to index
        %swap3A_221 = tpu.vector_load %arg7[%swap3A] {strides = array<i32>} : memref<4128xi32, #tpu.memory_space<vmem>>, vector<16xi32>,
        tpu.vector_store %arg7[%swap3A], %or3A_217 {strides = array<i32>} : memref<4128xi32, #tpu.memory_space<vmem>>, vector<16xi32>,
      }
      %scan3A_180 = arith.constant 4 : i32
      %add3A_181 = arith.constant 64 : i32
      %add3A_182 = arith.addi %scan3A_174, %add3A_181 : i32
      %sub3A = arith.constant 1 : i32
      %sub3A_183 = arith.subi %add3A_182, %sub3A : i32
      %jit3A = arith.constant 64 : i32
      %div3A = arith.divsi %sub3A_183, %jit3A : i32
      %sign3A = arith.constant 0 : i32
      %sign3A_184 = arith.cmpi sgt, %sub3A_183, %sign3A : i32
      %sign3A_185 = arith.extui %sign3A_184 : i1 to i32
      %sign3A_186 = arith.constant 0 : i32
      %sign3A_187 = arith.cmpi slt, %sub3A_183, %sign3A_186 : i32
      %sign3A_188 = arith.extui %sign3A_187 : i1 to i32
      %sign3A_189 = arith.subi %sign3A_185, %sign3A_188 : i32
      %sign3A_190 = arith.constant 0 : i32
      %sign3A_191 = arith.cmpi sgt, %jit3A, %sign3A_190 : i32
      %sign3A_192 = arith.extui %sign3A_191 : i1 to i32
      %sign3A_193 = arith.constant 0 : i32
      %sign3A_194 = arith.cmpi slt, %jit3A, %sign3A_193 : i32
      %sign3A_195 = arith.extui %sign3A_194 : i1 to i32
      %sign3A_196 = arith.subi %sign3A_192, %sign3A_195 : i32
      %ne3A = arith.cmpi ne, %sign3A_189, %sign3A_196 : i32
      %rem3A = arith.remsi %sub3A_183, %jit3A : i32
      %ne3A_197 = arith.constant 0 : i32
      %ne3A_198 = arith.cmpi ne, %rem3A, %ne3A_197 : i32
      %and3A = arith.andi %ne3A, %ne3A_198 : i1
      %sub3A_199 = arith.constant 1 : i32
      %sub3A_200 = arith.subi %div3A, %sub3A_199 : i32
      %select_n3A = arith.select %and3A, %sub3A_200, %div3A : i32
      %while3A = arith.constant 0 : i32
      %while3A_201 = arith.subi %select_n3A, %while3A : i32
      %while3A_202 = arith.addi %while3A, %while3A_201 : i32
      %while3A_203 = arith.constant 1 : i32
      %while3A_204 = arith.divsi %while3A_201, %while3A_203 : i32
      %while3A_205 = arith.muli %while3A_204, %while3A_203 : i32
      %while3A_206 = arith.addi %while3A, %while3A_205 : i32
      %while3A_207 = arith.constant 1 : i32
      scf.for %while3A_209 = %while3A to %while3A_206 step %while3A_207  : i32 {
        %mul3A_210 = arith.constant 64 : i32
        %mul3A_211 = arith.muli %while3A_209, %mul3A_210 : i32
        %add3A_212 = arith.constant 0 : i32
        %add3A_213 = arith.addi %mul3A_211, %add3A_212 : i32
        %get3A = arith.index_cast %add3A_213 : i32 to index
        %get3A_214 = tpu.vector_load %arg7[%get3A] {strides = array<i32>} : memref<4128xi32, #tpu.memory_space<vmem>>, vector<16xi32>,
        %shift_right_logical3A = arith.constant 9 : i32
        %shift_right_logical3A_215 = vector.broadcast %shift_right_logical3A : i32 to vector<16xi32>
        %shift_right_logical3A_216 = arith.shrui %get3A_214, %shift_right_logical3A_215 : vector<16xi32>
        %swap3A = arith.constant 0 : index
        %swap3A_217 = tpu.vector_load %arg8[%swap3A] {strides = array<i32>} : memref<64xi32, #tpu.memory_space<vmem>>, vector<16xi32>,
        tpu.vector_store %arg8[%swap3A], %shift_right_logical3A_216 {strides = array<i32>} : memref<64xi32, #tpu.memory_space<vmem>>, vector<16xi32>,
        %mul3A_218 = arith.constant 64 : i32
        %mul3A_219 = arith.muli %while3A_209, %mul3A_218 : i32
        %add3A_220 = arith.constant 16 : i32
        %add3A_221 = arith.addi %mul3A_219, %add3A_220 : i32
        %get3A_222 = arith.index_cast %add3A_221 : i32 to index
        %get3A_223 = tpu.vector_load %arg7[%get3A_222] {strides = array<i32>} : memref<4128xi32, #tpu.memory_space<vmem>>, vector<16xi32>,
        %shift_right_logical3A_224 = arith.constant 9 : i32
        %shift_right_logical3A_225 = vector.broadcast %shift_right_logical3A_224 : i32 to vector<16xi32>
        %shift_right_logical3A_226 = arith.shrui %get3A_223, %shift_right_logical3A_225 : vector<16xi32>
        %swap3A_227 = arith.constant 16 : index
        %swap3A_228 = tpu.vector_load %arg8[%swap3A_227] {strides = array<i32>} : memref<64xi32, #tpu.memory_space<vmem>>, vector<16xi32>,
        tpu.vector_store %arg8[%swap3A_227], %shift_right_logical3A_226 {strides = array<i32>} : memref<64xi32, #tpu.memory_space<vmem>>, vector<16xi32>,
        %mul3A_229 = arith.constant 64 : i32
        %mul3A_230 = arith.muli %while3A_209, %mul3A_229 : i32
        %add3A_231 = arith.constant 32 : i32
        %add3A_232 = arith.addi %mul3A_230, %add3A_231 : i32
        %get3A_233 = arith.index_cast %add3A_232 : i32 to index
        %get3A_234 = tpu.vector_load %arg7[%get3A_233] {strides = array<i32>} : memref<4128xi32, #tpu.memory_space<vmem>>, vector<16xi32>,
        %shift_right_logical3A_235 = arith.constant 9 : i32
        %shift_right_logical3A_236 = vector.broadcast %shift_right_logical3A_235 : i32 to vector<16xi32>
        %shift_right_logical3A_237 = arith.shrui %get3A_234, %shift_right_logical3A_236 : vector<16xi32>
        %swap3A_238 = arith.constant 32 : index
        %swap3A_239 = tpu.vector_load %arg8[%swap3A_238] {strides = array<i32>} : memref<64xi32, #tpu.memory_space<vmem>>, vector<16xi32>,
        tpu.vector_store %arg8[%swap3A_238], %shift_right_logical3A_237 {strides = array<i32>} : memref<64xi32, #tpu.memory_space<vmem>>, vector<16xi32>,
        %mul3A_240 = arith.constant 64 : i32
        %mul3A_241 = arith.muli %while3A_209, %mul3A_240 : i32
        %add3A_242 = arith.constant 48 : i32
        %add3A_243 = arith.addi %mul3A_241, %add3A_242 : i32
        %get3A_244 = arith.index_cast %add3A_243 : i32 to index
        %get3A_245 = tpu.vector_load %arg7[%get3A_244] {strides = array<i32>} : memref<4128xi32, #tpu.memory_space<vmem>>, vector<16xi32>,
        %shift_right_logical3A_246 = arith.constant 9 : i32
        %shift_right_logical3A_247 = vector.broadcast %shift_right_logical3A_246 : i32 to vector<16xi32>
        %shift_right_logical3A_248 = arith.shrui %get3A_245, %shift_right_logical3A_247 : vector<16xi32>
        %swap3A_249 = arith.constant 48 : index
        %swap3A_250 = tpu.vector_load %arg8[%swap3A_249] {strides = array<i32>} : memref<64xi32, #tpu.memory_space<vmem>>, vector<16xi32>,
        tpu.vector_store %arg8[%swap3A_249], %shift_right_logical3A_248 {strides = array<i32>} : memref<64xi32, #tpu.memory_space<vmem>>, vector<16xi32>,
        "tpu.region"() ({
          %run_scoped3A = tpu.sem_alloc : memref<!tpu.dma_semaphore, #tpu.memory_space<semaphore_mem>>
          %dma_start3A = arith.constant 0 : i32
          %dma_start3A_251 = arith.constant 0 : i32
          %dma_start3A_252 = tpu.memref_slice %arg3[%dma_start3A, %dma_start3A_251] : memref<160000x256xf32, #tpu.memory_space<hbm>> -> memref<160000x256xf32, #tpu.memory_space<hbm>>
          tpu.enqueue_indirect_dma source(%dma_start3A_252 : memref<160000x256xf32, #tpu.memory_space<hbm>>) target(%arg10 : memref<64x256xf32, #tpu.memory_space<vmem>>) offsets(%arg8 : memref<64xi32, #tpu.memory_space<vmem>>) semaphore(%run_scoped3A : memref<!tpu.dma_semaphore, #tpu.memory_space<semaphore_mem>>)
          %dma_wait3A = arith.constant 0 : i32
          %dma_wait3A_253 = arith.constant 0 : i32
          %dma_wait3A_254 = tpu.memref_slice %arg3[%dma_wait3A, %dma_wait3A_253] : memref<160000x256xf32, #tpu.memory_space<hbm>> -> memref<160000x256xf32, #tpu.memory_space<hbm>>
          tpu.wait_indirect_dma semaphore(%run_scoped3A : memref<!tpu.dma_semaphore, #tpu.memory_space<semaphore_mem>>) src(%dma_wait3A_254 : memref<160000x256xf32, #tpu.memory_space<hbm>>) dst(%arg10 : memref<64x256xf32, #tpu.memory_space<vmem>>)
          tpu.yield
        }) : () -> ()
      }
      %while3A_208 = arith.constant 1 : i32
      scf.for %while3A_209 = %while3A_206 to %while3A_202 step %while3A_208  : i32 {
        %mul3A_210 = arith.constant 64 : i32
        %mul3A_211 = arith.muli %while3A_209, %mul3A_210 : i32
        %add3A_212 = arith.constant 0 : i32
        %add3A_213 = arith.addi %mul3A_211, %add3A_212 : i32
        %get3A = arith.index_cast %add3A_213 : i32 to index
        %get3A_214 = tpu.vector_load %arg7[%get3A] {strides = array<i32>} : memref<4128xi32, #tpu.memory_space<vmem>>, vector<16xi32>,
        %shift_right_logical3A = arith.constant 9 : i32
        %shift_right_logical3A_215 = vector.broadcast %shift_right_logical3A : i32 to vector<16xi32>
        %shift_right_logical3A_216 = arith.shrui %get3A_214, %shift_right_logical3A_215 : vector<16xi32>
        %swap3A = arith.constant 0 : index
        %swap3A_217 = tpu.vector_load %arg8[%swap3A] {strides = array<i32>} : memref<64xi32, #tpu.memory_space<vmem>>, vector<16xi32>,
        tpu.vector_store %arg8[%swap3A], %shift_right_logical3A_216 {strides = array<i32>} : memref<64xi32, #tpu.memory_space<vmem>>, vector<16xi32>,
        %mul3A_218 = arith.constant 64 : i32
        %mul3A_219 = arith.muli %while3A_209, %mul3A_218 : i32
        %add3A_220 = arith.constant 16 : i32
        %add3A_221 = arith.addi %mul3A_219, %add3A_220 : i32
        %get3A_222 = arith.index_cast %add3A_221 : i32 to index
        %get3A_223 = tpu.vector_load %arg7[%get3A_222] {strides = array<i32>} : memref<4128xi32, #tpu.memory_space<vmem>>, vector<16xi32>,
        %shift_right_logical3A_224 = arith.constant 9 : i32
        %shift_right_logical3A_225 = vector.broadcast %shift_right_logical3A_224 : i32 to vector<16xi32>
        %shift_right_logical3A_226 = arith.shrui %get3A_223, %shift_right_logical3A_225 : vector<16xi32>
        %swap3A_227 = arith.constant 16 : index
        %swap3A_228 = tpu.vector_load %arg8[%swap3A_227] {strides = array<i32>} : memref<64xi32, #tpu.memory_space<vmem>>, vector<16xi32>,
        tpu.vector_store %arg8[%swap3A_227], %shift_right_logical3A_226 {strides = array<i32>} : memref<64xi32, #tpu.memory_space<vmem>>, vector<16xi32>,
        %mul3A_229 = arith.constant 64 : i32
        %mul3A_230 = arith.muli %while3A_209, %mul3A_229 : i32
        %add3A_231 = arith.constant 32 : i32
        %add3A_232 = arith.addi %mul3A_230, %add3A_231 : i32
        %get3A_233 = arith.index_cast %add3A_232 : i32 to index
        %get3A_234 = tpu.vector_load %arg7[%get3A_233] {strides = array<i32>} : memref<4128xi32, #tpu.memory_space<vmem>>, vector<16xi32>,
        %shift_right_logical3A_235 = arith.constant 9 : i32
        %shift_right_logical3A_236 = vector.broadcast %shift_right_logical3A_235 : i32 to vector<16xi32>
        %shift_right_logical3A_237 = arith.shrui %get3A_234, %shift_right_logical3A_236 : vector<16xi32>
        %swap3A_238 = arith.constant 32 : index
        %swap3A_239 = tpu.vector_load %arg8[%swap3A_238] {strides = array<i32>} : memref<64xi32, #tpu.memory_space<vmem>>, vector<16xi32>,
        tpu.vector_store %arg8[%swap3A_238], %shift_right_logical3A_237 {strides = array<i32>} : memref<64xi32, #tpu.memory_space<vmem>>, vector<16xi32>,
        %mul3A_240 = arith.constant 64 : i32
        %mul3A_241 = arith.muli %while3A_209, %mul3A_240 : i32
        %add3A_242 = arith.constant 48 : i32
        %add3A_243 = arith.addi %mul3A_241, %add3A_242 : i32
        %get3A_244 = arith.index_cast %add3A_243 : i32 to index
        %get3A_245 = tpu.vector_load %arg7[%get3A_244] {strides = array<i32>} : memref<4128xi32, #tpu.memory_space<vmem>>, vector<16xi32>,
        %shift_right_logical3A_246 = arith.constant 9 : i32
        %shift_right_logical3A_247 = vector.broadcast %shift_right_logical3A_246 : i32 to vector<16xi32>
        %shift_right_logical3A_248 = arith.shrui %get3A_245, %shift_right_logical3A_247 : vector<16xi32>
        %swap3A_249 = arith.constant 48 : index
        %swap3A_250 = tpu.vector_load %arg8[%swap3A_249] {strides = array<i32>} : memref<64xi32, #tpu.memory_space<vmem>>, vector<16xi32>,
        tpu.vector_store %arg8[%swap3A_249], %shift_right_logical3A_248 {strides = array<i32>} : memref<64xi32, #tpu.memory_space<vmem>>, vector<16xi32>,
        "tpu.region"() ({
          %run_scoped3A = tpu.sem_alloc : memref<!tpu.dma_semaphore, #tpu.memory_space<semaphore_mem>>
          %dma_start3A = arith.constant 0 : i32
          %dma_start3A_251 = arith.constant 0 : i32
          %dma_start3A_252 = tpu.memref_slice %arg3[%dma_start3A, %dma_start3A_251] : memref<160000x256xf32, #tpu.memory_space<hbm>> -> memref<160000x256xf32, #tpu.memory_space<hbm>>
          tpu.enqueue_indirect_dma source(%dma_start3A_252 : memref<160000x256xf32, #tpu.memory_space<hbm>>) target(%arg10 : memref<64x256xf32, #tpu.memory_space<vmem>>) offsets(%arg8 : memref<64xi32, #tpu.memory_space<vmem>>) semaphore(%run_scoped3A : memref<!tpu.dma_semaphore, #tpu.memory_space<semaphore_mem>>)
          %dma_wait3A = arith.constant 0 : i32
          %dma_wait3A_253 = arith.constant 0 : i32
          %dma_wait3A_254 = tpu.memref_slice %arg3[%dma_wait3A, %dma_wait3A_253] : memref<160000x256xf32, #tpu.memory_space<hbm>> -> memref<160000x256xf32, #tpu.memory_space<hbm>>
          tpu.wait_indirect_dma semaphore(%run_scoped3A : memref<!tpu.dma_semaphore, #tpu.memory_space<semaphore_mem>>) src(%dma_wait3A_254 : memref<160000x256xf32, #tpu.memory_space<hbm>>) dst(%arg10 : memref<64x256xf32, #tpu.memory_space<vmem>>)
          tpu.yield
        }) : () -> ()
      }
    }
    %scan3A_165 = arith.constant 40 : i32
    "tpu.region"() ({
      %run_scoped3A = tpu.sem_alloc : memref<!tpu.dma_semaphore, #tpu.memory_space<semaphore_mem>>
      %dma_start3A = arith.constant 0 : i32
      %dma_start3A_166 = arith.constant 0 : i32
      %dma_start3A_167 = tpu.memref_slice %arg5[%add3A, %dma_start3A, %dma_start3A_166] : memref<32x320x256xf32, #tpu.memory_space<hbm>> -> memref<1x320x256xf32, #tpu.memory_space<hbm>>
      %dma_start3A_168 = tpu.memref_squeeze %dma_start3A_167 : memref<1x320x256xf32, #tpu.memory_space<hbm>> -> memref<320x256xf32, #tpu.memory_space<hbm>>
      %dma_start3A_169 = arith.constant 0 : i32
      %dma_start3A_170 = arith.constant 0 : i32
      %dma_start3A_171 = tpu.memref_slice %arg5[%add3A, %dma_start3A_169, %dma_start3A_170] : memref<32x320x256xf32, #tpu.memory_space<hbm>> -> memref<1x320x256xf32, #tpu.memory_space<hbm>>
      %dma_start3A_172 = tpu.memref_squeeze %dma_start3A_171 : memref<1x320x256xf32, #tpu.memory_space<hbm>> -> memref<320x256xf32, #tpu.memory_space<hbm>>
      tpu.enqueue_dma source(%arg11 : memref<320x256xf32, #tpu.memory_space<vmem>>) target(%dma_start3A_172 : memref<320x256xf32, #tpu.memory_space<hbm>>) target_semaphore(%run_scoped3A : memref<!tpu.dma_semaphore, #tpu.memory_space<semaphore_mem>>)
      %dma_wait3A = arith.constant 0 : i32
      %dma_wait3A_173 = arith.constant 0 : i32
      %dma_wait3A_174 = tpu.memref_slice %arg5[%add3A, %dma_wait3A, %dma_wait3A_173] : memref<32x320x256xf32, #tpu.memory_space<hbm>> -> memref<1x320x256xf32, #tpu.memory_space<hbm>>
      %dma_wait3A_175 = tpu.memref_squeeze %dma_wait3A_174 : memref<1x320x256xf32, #tpu.memory_space<hbm>> -> memref<320x256xf32, #tpu.memory_space<hbm>>
      %dma_wait3A_176 = arith.constant 0 : i32
      %dma_wait3A_177 = arith.constant 0 : i32
      %dma_wait3A_178 = tpu.memref_slice %arg5[%add3A, %dma_wait3A_176, %dma_wait3A_177] : memref<32x320x256xf32, #tpu.memory_space<hbm>> -> memref<1x320x256xf32, #tpu.memory_space<hbm>>
      %dma_wait3A_179 = tpu.memref_squeeze %dma_wait3A_178 : memref<1x320x256xf32, #tpu.memory_space<hbm>> -> memref<320x256xf32, #tpu.memory_space<hbm>>
      tpu.wait_dma2 semaphore(%run_scoped3A : memref<!tpu.dma_semaphore, #tpu.memory_space<semaphore_mem>>) src(%arg11 : memref<320x256xf32, #tpu.memory_space<vmem>>) dst(%dma_wait3A_179 : memref<320x256xf32, #tpu.memory_space<hbm>>)
      tpu.yield
    }) : () -> ()
    return
  }
}

module attributes {stable_mosaic.version = 14 : i64} {
  func.func @_gru_body(%arg0: i32, %arg1: memref<1000x256xf32, #tpu.memory_space<vmem>>, %arg2: memref<1000x256xf32, #tpu.memory_space<vmem>>, %arg3: memref<256x768xf32, #tpu.memory_space<vmem>>, %arg4: memref<256x768xf32, #tpu.memory_space<vmem>>, %arg5: memref<1x768xf32, #tpu.memory_space<vmem>>, %arg6: memref<1x768xf32, #tpu.memory_space<vmem>>, %arg7: memref<1000x256xf32, #tpu.memory_space<vmem>>) attributes {dimension_semantics = [#tpu.dimension_semantics<arbitrary>], iteration_bounds = array<i64: 10>, scalar_prefetch = 0 : i64, scratch_operands = 0 : i64, tpu.core_type = #tpu.core_type<tc>, window_params = [{transform_indices = @transform_0, window_bounds = array<i64: 1000, 256>}, {transform_indices = @transform_1, window_bounds = array<i64: 1000, 256>}, {pipeline_mode = #tpu.pipeline_mode<synchronous>, transform_indices = @transform_2, window_bounds = array<i64: 256, 768>}, {pipeline_mode = #tpu.pipeline_mode<synchronous>, transform_indices = @transform_3, window_bounds = array<i64: 256, 768>}, {pipeline_mode = #tpu.pipeline_mode<synchronous>, transform_indices = @transform_4, window_bounds = array<i64: 1, 768>}, {pipeline_mode = #tpu.pipeline_mode<synchronous>, transform_indices = @transform_5, window_bounds = array<i64: 1, 768>}, {transform_indices = @transform_6, window_bounds = array<i64: 1000, 256>}]} {
    %get3A = arith.constant 0 : index
    %get3A_0 = arith.constant 0 : index
    %get3A_1 = vector.load %arg1[%get3A, %get3A_0] : memref<1000x256xf32, #tpu.memory_space<vmem>>, vector<1000x256xf32>
    %get3A_2 = arith.constant 0 : index
    %get3A_3 = arith.constant 0 : index
    %get3A_4 = vector.load %arg2[%get3A_2, %get3A_3] : memref<1000x256xf32, #tpu.memory_space<vmem>>, vector<1000x256xf32>
    %get3A_5 = arith.constant 0 : index
    %get3A_6 = arith.constant 0 : index
    %get3A_7 = vector.load %arg3[%get3A_5, %get3A_6] : memref<256x768xf32, #tpu.memory_space<vmem>>, vector<256x768xf32>
    %dot_general3A = arith.constant dense<0.000000e+00> : vector<1000x768xf32>
    %dot_general3A_8 = tpu.matmul %get3A_1, %get3A_7, %dot_general3A {dimension_numbers = #tpu.dot_dimension_numbers<[1], [0], [0], [1], [0, 0, 1, 1], [], []>, transpose_lhs_hint = false} : vector<1000x256xf32>, vector<256x768xf32>, vector<1000x768xf32> -> vector<1000x768xf32>
    %get3A_9 = arith.constant 0 : index
    %get3A_10 = arith.constant 0 : index
    %get3A_11 = vector.load %arg5[%get3A_9, %get3A_10] : memref<1x768xf32, #tpu.memory_space<vmem>>, vector<1x768xf32>
    %add3A = vector.broadcast %get3A_11 : vector<1x768xf32> to vector<1000x768xf32>
    %add3A_12 = arith.addf %dot_general3A_8, %add3A : vector<1000x768xf32>
    %get3A_13 = arith.constant 0 : index
    %get3A_14 = arith.constant 0 : index
    %get3A_15 = vector.load %arg4[%get3A_13, %get3A_14] : memref<256x768xf32, #tpu.memory_space<vmem>>, vector<256x768xf32>
    %dot_general3A_16 = arith.constant dense<0.000000e+00> : vector<1000x768xf32>
    %dot_general3A_17 = tpu.matmul %get3A_4, %get3A_15, %dot_general3A_16 {dimension_numbers = #tpu.dot_dimension_numbers<[1], [0], [0], [1], [0, 0, 1, 1], [], []>, transpose_lhs_hint = false} : vector<1000x256xf32>, vector<256x768xf32>, vector<1000x768xf32> -> vector<1000x768xf32>
    %get3A_18 = arith.constant 0 : index
    %get3A_19 = arith.constant 0 : index
    %get3A_20 = vector.load %arg6[%get3A_18, %get3A_19] : memref<1x768xf32, #tpu.memory_space<vmem>>, vector<1x768xf32>
    %add3A_21 = vector.broadcast %get3A_20 : vector<1x768xf32> to vector<1000x768xf32>
    %add3A_22 = arith.addf %dot_general3A_17, %add3A_21 : vector<1000x768xf32>
    %slice3A = vector.extract_strided_slice %add3A_12 {offsets = [0, 0], sizes = [1000, 256], strides = [1, 1]} : vector<1000x768xf32> to vector<1000x256xf32>
    %slice3A_23 = vector.extract_strided_slice %add3A_22 {offsets = [0, 0], sizes = [1000, 256], strides = [1, 1]} : vector<1000x768xf32> to vector<1000x256xf32>
    %add3A_24 = arith.addf %slice3A, %slice3A_23 : vector<1000x256xf32>
    %logistic3A = arith.negf %add3A_24 : vector<1000x256xf32>
    %logistic3A_25 = math.exp %logistic3A : vector<1000x256xf32>
    %logistic3A_26 = arith.constant 1.000000e+00 : f32
    %logistic3A_27 = vector.broadcast %logistic3A_26 : f32 to vector<1000x256xf32>
    %logistic3A_28 = arith.addf %logistic3A_27, %logistic3A_25 : vector<1000x256xf32>
    %logistic3A_29 = arith.divf %logistic3A_27, %logistic3A_28 : vector<1000x256xf32>
    %slice3A_30 = vector.extract_strided_slice %add3A_12 {offsets = [0, 256], sizes = [1000, 256], strides = [1, 1]} : vector<1000x768xf32> to vector<1000x256xf32>
    %slice3A_31 = vector.extract_strided_slice %add3A_22 {offsets = [0, 256], sizes = [1000, 256], strides = [1, 1]} : vector<1000x768xf32> to vector<1000x256xf32>
    %add3A_32 = arith.addf %slice3A_30, %slice3A_31 : vector<1000x256xf32>
    %logistic3A_33 = arith.negf %add3A_32 : vector<1000x256xf32>
    %logistic3A_34 = math.exp %logistic3A_33 : vector<1000x256xf32>
    %logistic3A_35 = arith.constant 1.000000e+00 : f32
    %logistic3A_36 = vector.broadcast %logistic3A_35 : f32 to vector<1000x256xf32>
    %logistic3A_37 = arith.addf %logistic3A_36, %logistic3A_34 : vector<1000x256xf32>
    %logistic3A_38 = arith.divf %logistic3A_36, %logistic3A_37 : vector<1000x256xf32>
    %slice3A_39 = vector.extract_strided_slice %add3A_12 {offsets = [0, 512], sizes = [1000, 256], strides = [1, 1]} : vector<1000x768xf32> to vector<1000x256xf32>
    %slice3A_40 = vector.extract_strided_slice %add3A_22 {offsets = [0, 512], sizes = [1000, 256], strides = [1, 1]} : vector<1000x768xf32> to vector<1000x256xf32>
    %mul3A = arith.mulf %logistic3A_29, %slice3A_40 : vector<1000x256xf32>
    %add3A_41 = arith.addf %slice3A_39, %mul3A : vector<1000x256xf32>
    %tanh3A = math.tanh %add3A_41 : vector<1000x256xf32>
    %sub3A = arith.constant 1.000000e+00 : f32
    %sub3A_42 = vector.broadcast %sub3A : f32 to vector<1000x256xf32>
    %sub3A_43 = arith.subf %sub3A_42, %logistic3A_38 : vector<1000x256xf32>
    %mul3A_44 = arith.mulf %sub3A_43, %tanh3A : vector<1000x256xf32>
    %mul3A_45 = arith.mulf %logistic3A_38, %get3A_4 : vector<1000x256xf32>
    %add3A_46 = arith.addf %mul3A_44, %mul3A_45 : vector<1000x256xf32>
    %swap3A = arith.constant 0 : index
    %swap3A_47 = arith.constant 0 : index
    %swap3A_48 = vector.load %arg7[%swap3A, %swap3A_47] : memref<1000x256xf32, #tpu.memory_space<vmem>>, vector<1000x256xf32>
    tpu.vector_store %arg7[%swap3A, %swap3A_47], %add3A_46 {strides = array<i32>} : memref<1000x256xf32, #tpu.memory_space<vmem>>, vector<1000x256xf32>,
    return
  }
  func.func @transform_0(%arg0: i32) -> (i32, i32) {
    %c0_i32 = arith.constant 0 : i32
    %c0_i32_0 = arith.constant 0 : i32
    return %arg0, %c0_i32 : i32, i32
  }
  func.func @transform_1(%arg0: i32) -> (i32, i32) {
    %c0_i32 = arith.constant 0 : i32
    %c0_i32_0 = arith.constant 0 : i32
    return %arg0, %c0_i32 : i32, i32
  }
  func.func @transform_2(%arg0: i32) -> (i32, i32) {
    %c0_i32 = arith.constant 0 : i32
    %c0_i32_0 = arith.constant 0 : i32
    %c0_i32_1 = arith.constant 0 : i32
    return %c0_i32, %c0_i32_0 : i32, i32
  }
  func.func @transform_3(%arg0: i32) -> (i32, i32) {
    %c0_i32 = arith.constant 0 : i32
    %c0_i32_0 = arith.constant 0 : i32
    %c0_i32_1 = arith.constant 0 : i32
    return %c0_i32, %c0_i32_0 : i32, i32
  }
  func.func @transform_4(%arg0: i32) -> (i32, i32) {
    %c0_i32 = arith.constant 0 : i32
    %c0_i32_0 = arith.constant 0 : i32
    %c0_i32_1 = arith.constant 0 : i32
    return %c0_i32, %c0_i32_0 : i32, i32
  }
  func.func @transform_5(%arg0: i32) -> (i32, i32) {
    %c0_i32 = arith.constant 0 : i32
    %c0_i32_0 = arith.constant 0 : i32
    %c0_i32_1 = arith.constant 0 : i32
    return %c0_i32, %c0_i32_0 : i32, i32
  }
  func.func @transform_6(%arg0: i32) -> (i32, i32) {
    %c0_i32 = arith.constant 0 : i32
    %c0_i32_0 = arith.constant 0 : i32
    return %arg0, %c0_i32 : i32, i32
  }
}

</mosaic_0001>

<sc_bundles>
// kernel: kernel.4.cloned.1.call-start
scs
__scs_entry_jumppad:
0x0: {  	(pc) =	sbr.rel $0x88, $3  }
0x1: {  	(tag) =	ssettag $0x0;
	lr =	simm.s32 $0x1  }
0x2: {  	[smem:$0x3F9A] =	sst lr;
	_ =	strace $0xD0000000  }
0x3: {  	_ = 	snop  }
0x4: {  	_ = 	snop  }
0x5: {  	_ = 	snop  }
0x6: {  	_ = 	snop  }
0x7: {  	_ = 	snop  }
__scs_overlays_trampoline_lowered:
0x8: {  	[smem:$0x3FA9] =	sst s0  }
0x9: {  	[smem:$0x3FAA] =	sst s1  }
0xa: {  	[smem:$0x3FAB] =	sst s2  }
0xb: {  	[smem:$0x3FAC] =	sst s3  }
0xc: {  	[smem:$0x3FAD] =	sst s4  }
0xd: {  	[smem:$0x3FAE] =	sst s5  }
0xe: {  	[smem:$0x3FAF] =	sst s6  }
0xf: {  	[smem:$0x3FB0] =	sst s7  }
0x10: {  	[smem:$0x3FB1] =	sst s8  }
0x11: {  	[smem:$0x3FB2] =	sst s9;
	s0 =	simm.s32 @!p0 $0x0  }
0x12: {  	s1 =	sld [smem:$0x3F98];
	s0 =	simm.s32 @p0 $0x1  }
0x13: {  	[smem:$0x3FB3] =	sst s0;
	s0 =	simm.s32 @!p1 $0x0  }
0x14: {  	s2 =	sld [smem:$0x3F97];
	s0 =	simm.s32 @p1 $0x1  }
0x15: {  	[smem:$0x3FB4] =	sst s0;
	s0 =	simm.s32 @!p2 $0x0  }
0x16: {  	s3 =	sld [smem:$0x3FDB];
	s0 =	simm.s32 @p2 $0x1  }
0x17: {  	s4 =	simm.s32 $0x1BF5;
	[smem:$0x3FB6] =	sst s0  }
0x18: {  	s0 =	sld [smem:$0x3F99];
	_ =	swait.ge [sflag:s4], $0x0  }
0x19: {  	s7 =	sld [smem:$0x3F9A]  }
0x1a: {  	s8 =	sadd.s32 $0xFFFFE003, lr  }
0x1b: {  	s9 =	sadd.s32 $0xFFFFFEF7, lr;
	s5 =	simm.s32 $0xFFFFFFFF;
	p2 =	slt.u32 s8, $0xFFFFF086  }
0x1c: {  	p1 =	slt.u32 s9, $0xF7A;
	s5 =	simm.s32 @!p2 $0x0  }
0x1d: {  	s5 =	simm.s32 @p1 $0x1;
	p0 =	seq.s32 s7, s2  }
0x1e: {  	s7 =	smul.u32 @!p0 $0xF7A, s2;
	p2 =	seq.s32 @!p0 s5, $0x0  }
0x1f: {  	s9 =	smul.u32 $0xF7A, s1;
	s8 =	simm.s32 @!p0 $0x1BF5;
	p2 =	por !p2, p0  }
0x20: {  	[sflag:s8] =	ssyncset.s32 @!p0 $0xFFFFF086;
	s6 =	sadd.s32 @!p0 s3, s7;
	s7 =	simm.s32 @!p0 $0x108  }
0x21: {  	s3 =	sadd.s32 s3, s9;
	s6 =	sadd.s32 @!p0 $0x88, s6;
	s7 =	simm.s32 @p2 $0x1082  }
0x22: {  	[simem:s7], [sflag:s8] =	dma.local @!p0 [hbm:s6], $0xF7A  }
0x23: {  	s9 =	sor.u32 $0xD0000000, s2;
	s6 =	simm.s32 $0x108;
	_ =	swait.ge @!p0 [sflag:s8], $0x0  }
0x24: {  	s3 =	sadd.s32 $0x88, s3;
	s6 =	simm.s32 @!p1 $0x1082;
	[sflag:s4] =	ssyncset.s32 $0xFFFFF086  }
0x25: {  	[simem:s6], [sflag:s4] =	dma.local [hbm:s3], $0xF7A  }
0x26: {  	[smem:$0x3F9A] =	sst s1;
	(tag) =	ssettag s2;
	_ =	strace s9  }
0x27: {  	s1 =	sld [smem:$0x3FAA]  }
0x28: {  	s2 =	sld [smem:$0x3FAB]  }
0x29: {  	s4 =	sld [smem:$0x3FAD]  }
0x2a: {  	p0 =	seq.s32 s5, $0x0;
	s5 =	sld [smem:$0x3FAE]  }
0x2b: {  	s6 =	sld [smem:$0x3FAF]  }
0x2c: {  	s7 =	sld [smem:$0x3FB0]  }
0x2d: {  	s3 =	simm.s32 $0x108;
	s8 =	sld [smem:$0x3FB1]  }
0x2e: {  	s3 =	simm.s32 @!p0 $0x1082;
	s9 =	sld [smem:$0x3FB2]  }
0x2f: {  	lr =	sadd.s32 s0, s3;
	s0 =	sld [smem:$0x3FA9]  }
0x30: {  	s3 =	sld [smem:$0x3FAC]  }
0x31: {  	[smem:$0x3FB5] =	sst s10  }
0x32: {  	s10 =	sld [smem:$0x3FB3];
	_ =	sdelay $0x3  }
0x33: {  	p0 =	seq.s32 s10, $0x1;
	s10 =	sld [smem:$0x3FB5];
	_ =	sdelay $0x3  }
0x34: {  	[smem:$0x3FB5] =	sst s10  }
0x35: {  	s10 =	sld [smem:$0x3FB4];
	_ =	sdelay $0x3  }
0x36: {  	p1 =	seq.s32 s10, $0x1;
	s10 =	sld [smem:$0x3FB5];
	_ =	sdelay $0x3  }
0x37: {  	[smem:$0x3FB5] =	sst s10  }
0x38: {  	s10 =	sld [smem:$0x3FB6]  }
0x39: {  	_ = 	snop;
	(pc) =	sbr.ind lr, $3  }
0x3a: {  	_ = 	snop  }
0x3b: {  	_ = 	snop  }
0x3c: {  	p2 =	seq.s32 s10, $0x1;
	s10 =	sld [smem:$0x3FB5]  }
0x3d: {  	_ =	shalt  }
0x3e: {  	_ =	shalt  }
0x3f: {  	_ =	shalt  }
0x40: {  	_ =	shalt  }
0x41: {  	_ =	shalt  }
0x42: {  	_ =	shalt  }
0x43: {  	_ =	shalt  }
0x44: {  	_ =	shalt  }
0x45: {  	_ =	shalt  }
0x46: {  	_ =	shalt  }
0x47: {  	_ =	shalt  }
0x48: {  	_ =	shalt  }
0x49: {  	_ =	shalt  }
0x4a: {  	_ =	shalt  }
0x4b: {  	_ =	shalt  }
0x4c: {  	_ =	shalt  }
0x4d: {  	_ =	shalt  }
0x4e: {  	_ =	shalt  }
0x4f: {  	_ =	shalt  }
0x50: {  	_ =	shalt  }
0x51: {  	_ =	shalt  }
0x52: {  	_ =	shalt  }
0x53: {  	_ =	shalt  }
0x54: {  	_ =	shalt  }
0x55: {  	_ =	shalt  }
0x56: {  	_ =	shalt  }
0x57: {  	_ =	shalt  }
0x58: {  	_ =	shalt  }
0x59: {  	_ =	shalt  }
0x5a: {  	_ =	shalt  }
0x5b: {  	_ =	shalt  }
0x5c: {  	_ =	shalt  }
0x5d: {  	_ =	shalt  }
0x5e: {  	_ =	shalt  }
0x5f: {  	_ =	shalt  }
0x60: {  	_ =	shalt  }
0x61: {  	_ =	shalt  }
0x62: {  	_ =	shalt  }
0x63: {  	_ =	shalt  }
0x64: {  	_ =	shalt  }
0x65: {  	_ =	shalt  }
0x66: {  	_ =	shalt  }
0x67: {  	_ =	shalt  }
0x68: {  	_ =	shalt  }
0x69: {  	_ =	shalt  }
0x6a: {  	_ =	shalt  }
0x6b: {  	_ =	shalt  }
0x6c: {  	_ =	shalt  }
0x6d: {  	_ =	shalt  }
0x6e: {  	_ =	shalt  }
0x6f: {  	_ =	shalt  }
0x70: {  	_ =	shalt  }
0x71: {  	_ =	shalt  }
0x72: {  	_ =	shalt  }
0x73: {  	_ =	shalt  }
0x74: {  	_ =	shalt  }
0x75: {  	_ =	shalt  }
0x76: {  	_ =	shalt  }
0x77: {  	_ =	shalt  }
0x78: {  	_ =	shalt  }
0x79: {  	_ =	shalt  }
0x7a: {  	_ =	shalt  }
0x7b: {  	_ =	shalt  }
0x7c: {  	_ =	shalt  }
0x7d: {  	_ =	shalt  }
0x7e: {  	_ =	shalt  }
0x7f: {  	_ =	shalt  }
0x80: {  	_ =	shalt  }
0x81: {  	_ =	shalt  }
0x82: {  	_ =	shalt  }
0x83: {  	_ =	shalt  }
0x84: {  	_ =	shalt  }
0x85: {  	_ =	shalt  }
0x86: {  	_ =	shalt  }
0x87: {  	_ =	shalt  }
.Lfunc_end0:
.L_simem_size_0:
called_computation_lowered:
.L_overlay_start_0:
0x88: {  	s2 =	sld [smem:$0x3FD9]  }
0x89: {  	s3 =	sld [smem:$0x3FFE];
	_ =	sdelay $0x1  }
0x8a: {  	s1 =	srdreg.scid  }
0x8b: {  	s0 =	sand.u32 $0x1, s1  }
0x8c: {  	s17 =	sshll.u32 s0, $0xA;
	s2 =	sadd.s32 s3, s2  }
0x8d: {  	s2 =	sadd.s32 s2, s17  }
0x8e: {  	[smem:$0x3FC1] =	sst s2  }
0x8f: {  	_ = 	snop  }
0x90: {  	s2 =	sld [smem:$0x3FC8]  }
0x91: {  	s18 =	sld [smem:$0x3FC7]  }
0x92: {  	s4 =	sld [smem:$0x3FD0];
	(tm) =	ssettm $0x1  }
0x93: {  	s5 =	sld [smem:$0x3FFB];
	_ =	sdelay $0x3  }
0x94: {  	_ =	strace s5  }
0x95: {  	s5 =	sld [smem:$0x3FFC];
	_ =	sdelay $0x3  }
0x96: {  	_ =	strace s5  }
0x97: {  	s5 =	sld [smem:$0x3FFD];
	_ =	sdelay $0x3  }
0x98: {  	_ =	strace s5  }
0x99: {  	_ =	strace $0x8FFFFFFF  }
0x9a: {  	s19 =	sld [smem:$0x3FDB];
	_ =	sdelay $0x1  }
0x9b: {  	s6 =	simm.s32 $_scs_section_size  }
0x9c: {  	s7 =	simm.s32 $_size__tile_overlayer_lowered;
	s8 =	simm.s32 $_tile_overlayer_lowered  }
0x9d: {  	s22 =	simm.s32 $0x1BFF;
	s21 =	sshll.u32 s8, $0x1;
	s5 =	sadd.s32 s6, s19  }
0x9e: {  	s9 =	simm.s32 $0x0;
	s20 =	sshll.u32 s7, $0x1;
	s7 =	sadd.s32 s21, s5  }
0x9f: {  	[timem:s9], [sflag:s22] =	dma.local [hbm:s7], s20  }
0xa0: {  	_ =	swait.ge [sflag:s22], s20  }
0xa1: {  	s6 =	ssub.s32 $0x0, s20;
	[sflag:s22] =	ssyncset.done $0x0  }
0xa2: {  	[sflag:s22] =	ssyncadd.s32 s6;
	_ =	sdelay $0x1  }
0xa3: {  	s23 =	simm.s32 $0x1B8B  }
0xa4: {  	_ =	swait.ge [sflag:s23], $0x1  }
0xa5: {  	[sflag:s23] =	ssyncset.done $0x0  }
0xa6: {  	s25 =	simm.s32 $0x1B8E;
	s24 =	sld [smem:$0x3FFE];
	[sflag:s23] =	ssyncadd.s32 $0xFFFFFFFF  }
0xa7: {  	s26 =	simm.s32 $execute0_lowered;
	[smem:$0x3FD2] =	sst s25  }
0xa8: {  	s7 =	sshll.u32 s26, $0x1;
	_ =	strace $0x80000046;
	[dreg:$0x1] =	wrdreg $0xFFFFFFFF  }
0xa9: {  	s28 =	simm.s32 $_size_execute0_lowered;
	s5 =	sadd.s32 s5, s7;
	[dreg:$0x0] =	wrdreg $0x0  }
0xaa: {  	s7 =	sshll.u32 s28, $0x1;
	[dreg:$0x2] =	wrdreg s5  }
0xab: {  	[dreg:$0x3] =	wrdreg s7  }
0xac: {  	[dreg:$0x4] =	wrdreg $0xC0  }
0xad: {  	_ =	task [dreg:s9], $0x5FFFF  }
0xae: {  	[dreg:$0x1] =	wrdreg $0xFFFFFFFF  }
0xaf: {  	[dreg:$0x0] =	wrdreg $0x60  }
0xb0: {  	[dreg:$0x2] =	wrdreg s18  }
0xb1: {  	[dreg:$0x3] =	wrdreg s2  }
0xb2: {  	[dreg:$0x4] =	wrdreg s4  }
0xb3: {  	[dreg:$0x5] =	wrdreg s24  }
0xb4: {  	[dreg:$0x6] =	wrdreg $0x9  }
0xb5: {  	_ =	task.clear_ibuf [dreg:s9], $0x7FFFF;
	_ =	strace $0x90000046  }
0xb6: {  	s29 =	simm.s32 $0x9;
	_ =	strace $0x80000048  }
0xb7: {  	_ =	swait.ge [sflag:s29], $0x1  }
0xb8: {  	[sflag:s29] =	ssyncadd.s32 $0xFFFFFFFF  }
0xb9: {  	_ =	strace $0x90000048  }
0xba: {  	_ =	sfence  }
0xbb: {  	s30 =	sld [smem:$0x0];
	_ =	sdelay $0x2  }
0xbc: {  	s31 =	sshll.u32 s1, $0xD;
	s1 =	sshrl.u32 s1, $0x2  }
0xbd: {  	s3 =	sand.u32 $0x4000, s31;
	s1 =	sadd.s32 s1, s30  }
0xbe: {  	s0 =	sor.u32 s3, s0;
	s1 =	sshll.u32 s1, $0x11  }
0xbf: {  	s0 =	sor.u32 s1, s0  }
0xc0: {  	s0 =	sadd.s32 $0x8F2B, s0  }
0xc1: {  	[sflag:s0] =	ssyncadd.remote.s32 $0x1  }
0xc2: {  	_ =	sfence.sel $0xFFFF  }
0xc3: {  	[dreg:$0x0] =	wrdreg $0xFFFFFFFF;
	(pc) =	sbr.abs _section_cstart, $3  }
0xc4: {  	[dreg:$0x1] =	wrdreg $0xFFFFFFFF  }
0xc5: {  	_ =	task.clear_ibuf [dreg:s9], $0x2FFFF;
	_ =	strace $0x9FFFFFFF  }
0xc6: {  	(tm) =	ssettm $0x7FFFFFFF  }
0xc7: {  	_ =	shalt  }
tec
execute0_lowered:
.L_overlay_start_1:
0x0: {  	(tag) =	ssettag $0x1  }
0x1: {  	s0 =	rddreg [dreg:$0x0]  }
0x2: {  	s2 =	rddreg [dreg:$0x1]  }
0x3: {  	s4 =	rddreg [dreg:$0x2]  }
0x4: {  	s1 =	srdreg.scid;
	s7 =	rddreg [dreg:$0x3];
	s5 =	simm.s32 $0x0  }
0x5: {  	s10 =	simm.s32 $0x2100;
	s11 =	simm.s32 $0x2900;
	s6 =	sand.u32 $0x1, s1  }
0x6: {  	s12 =	simm.s32 $0x3100;
	s1 =	stileid.u32;
	s3 =	sshll.u32 s6, $0x4  }
0x7: {  	s13 =	simm.s32 $0x3900;
	s14 =	simm.s32 $0x4100;
	s8 =	sor.u32 s1, s3  }
0x8: {  	s15 =	simm.s32 $0x4900;
	s16 =	simm.s32 $0x5100;
	s9 =	smul.u32 $0x2800, s8  }
.Ltmp0:
0x9: {  	v11 =	vlaneseq.u32;
	v2 =	vimm.s32 $0x0;
	vm0 =	vmmov $0xffff;
	s17 =	simm.s32 $0x5900;
	s18 =	simm.s32 $0x0;
	(pc) =	sbr.rel .LBB2_1-.Ltmp0, $4  }
0xa: {  	[smem:$0x7FF] =	sst s5;
	v1 =	vmul.u32 $0x200, v11;
	v3 =	vor.u32 $0x80000010, v11;
	v4 =	vor.u32 $0x80000000, v11;
	s6 =	ssub.s32 $0x2, s6;
	s8 =	smul.u32 $0xFFFFFEC7, s8  }
0xb: {  	v9 =	vand.u32 $0x7, v11;
	v10 =	vshrl.u32 v11, $0x3;
	v11 =	vor.u32 $0x8, v11;
	s3 =	rddreg [dreg:$0x4];
	s31 =	sshrl.u32 s6, $0x1;
	_ =	strace $0x80000047  }
0xc: {  	v10 =	vmul.u32 $0x8, v10;
	v5 =	vor.u32 $0x139, v1;
	s7 =	sadd.s32 s9, s7;
	s9 =	ssub.s32 s6, s31;
	v0 =	vmov s8;
	s8 =	simm.s32 $0x6100  }
0xd: {  	v6 =	vor.u32 $0x2139, v1;
	v7 =	vor.u32 $0x4139, v1;
	v8 =	vor.u32 $0x6139, v1;
	s6 =	sadd.s32 $0x1800, s7;
	s7 =	smax.u32 s9, $0x1;
	s9 =	simm.s32 $0x1  }
.LBB2_7:
0xe: {  	s18 =	sadd.s32 $0x1, s18  }
0xf: {  	p0 =	sne.s32 s18, s7  }
.Ltmp1:
0x10: {  	_ = 	snop;
	(pc) =	sbr.rel @!p0 .LBB2_8-.Ltmp1, $4  }
0x11: {  	[hbm4b:s6+s5] =	stream.linear.scatter [tilespmem:s8], [sflag:$0x1], $0x14000, $0x38;
	[tilespmem:$0x1A100] =	vst v63  }
0x12: {  	_ =	swait.ge [sflag:s9], $0x14000  }
0x13: {  	[sflag:s9] =	ssyncset.done $0x0  }
0x14: {  	[sflag:s9] =	ssyncadd.s32 $0xFFFEC000  }
.LBB2_1:
.Ltmp2:
0x15: {  	(pc) =	sbr.rel .LBB2_2-.Ltmp2, $4  }
0x16: {  	[tilespmem:s8], [sflag:$0x1] =	stream.linear.gather [hbm4b:s4+s5], $0x14000, $0x38;
	[tilespmem:$0x1A100] =	vst v63  }
0x17: {  	_ =	swait.ge [sflag:s9], $0x14000  }
0x18: {  	[sflag:s9] =	ssyncset.done $0x0  }
0x19: {  	s19 =	simm.s32 $0x0;
	s20 =	simm.s32 $0x0;
	[sflag:s9] =	ssyncadd.s32 $0xFFFEC000  }
.LBB2_6:
0x1a: {  	s20 =	sadd.s32 $0x1, s20  }
0x1b: {  	p0 =	sne.s32 s20, $0x28  }
.Ltmp3:
0x1c: {  	_ = 	snop;
	(pc) =	sbr.rel @!p0 .LBB2_7-.Ltmp3, $2  }
0x1d: {  	_ =	sdelay $0x2  }
0x1e: {  	s19 =	sadd.s32 $0xFA0, s19  }
.LBB2_2:
0x1f: {  	s21 =	smul.u32 $0xFA0, s20;
	_ =	sdelay $0x1  }
0x20: {  	s21 =	sshrl.u32 s21, $0x3  }
0x21: {  	s22 =	sadd.s32 s0, s21;
	s21 =	simm.s32 $0x0  }
0x22: {  	[tilespmem:s21], [sflag:$0x1] =	stream.linear.gather [hbm4b:s22+s21], $0xFA0, $0x38;
	[tilespmem:$0x1A100] =	vst v63  }
0x23: {  	_ =	swait.ge [sflag:s9], $0xFA0  }
0x24: {  	[sflag:s9] =	ssyncset.done $0x0  }
0x25: {  	s31 =	simm.s32 $0x0;
	[sflag:s9] =	ssyncadd.s32 $0xFFFFF060  }
0x26: {  	v12 =	vld [tilespmem:s31+$0x0];
	_ =	sdelay $0x4  }
0x27: {  	v12 =	vadd.s32 v0, v12  }
0x28: {  	vm1 =	vlt.u32 v12, $0x139  }
0x29: {  	v13 =	vsel vm1, $0x1, v2  }
0x2a: {  	(xrf0) =	vadd.scan.msk.s32 $0xffff, v13;
	v13 =	vmov s19  }
0x2b: {  	v13 =	vshll.u32 v13, $0x9  }
0x2c: {  	v12 =	vmin.u32 v12, $0x139;
	v13 =	vor.u32 v1, v13  }
0x2d: {  	v12 =	vor.u32 v13, v12;
	v13 =	vsel vm1, v4, v3  }
0x2e: {  	(xrf1) =	vsort.ascd.msk.u32 $0xffff, v13, v12;
	_ =	sdelay $0x6  }
0x2f: {  	s23 =	simm.s32 $0x40;
	s24 =	simm.s32 $0x80;
	s22 =	smov.u32 s19;
	v12, _, _ =	vpop (xrf0)  }
.LBB2_3:
0x30: {  	p0 =	seq.s32 s24, $0x3E40;
	(v2sf) =	vpush v12, $0xF;
	_ =	sdelay $0x5  }
0x31: {  	_, v12, _ =	vpop (xrf1)  }
0x32: {  	s25 =	sshra.s32 s23, $0x2;
	s23 =	smov.u32 s24;
	[tilespmem:s21+$0x1000] =	vst v12  }
0x33: {  	v12 =	vld [tilespmem:s25+$0x0];
	_ =	sdelay $0x2  }
0x34: {  	s22 =	sadd.s32 $0x10, s22  }
0x35: {  	v13 =	vmov s22  }
0x36: {  	v13 =	vshll.u32 v13, $0x9;
	v12 =	vadd.s32 v0, v12  }
0x37: {  	v13 =	vor.u32 v1, v13;
	vm1 =	vlt.u32 v12, $0x139;
	v12 =	vmin.u32 v12, $0x139  }
0x38: {  	v14 =	vsel vm1, $0x1, v2;
	v12 =	vor.u32 v13, v12;
	v13 =	vsel vm1, v4, v3;
	s25 =	spop (v2sf)  }
0x39: {  	(xrf1) =	vsort.ascd.msk.u32 $0xffff, v13, v12;
	s21 =	sadd.s32 s21, s25  }
0x3a: {  	(xrf0) =	vadd.scan.msk.s32 $0xffff, v14;
	_ =	sdelay $0x1  }
.Ltmp4:
0x3b: {  	(pc) =	sbr.rel @!p0 .LBB2_3-.Ltmp4, $2  }
0x3c: {  	_ =	sdelay $0x2  }
0x3d: {  	s24 =	sadd.s32 $0x40, s24;
	v12, _, _ =	vpop (xrf0)  }
0x3e: {  	_ =	sdelay $0x5  }
0x3f: {  	_, v13, _ =	vpop (xrf1)  }
0x40: {  	s23 =	sshra.s32 s23, $0x2;
	[tilespmem:s21+$0x1000] =	vst v13  }
0x41: {  	v13 =	vld [tilespmem:s23+$0x0];
	_ =	sdelay $0x4  }
0x42: {  	v13 =	vadd.s32 v0, v13  }
0x43: {  	vm1 =	vlt.u32 v13, $0x139  }
0x44: {  	v14 =	vsel vm1, $0x1, v2  }
0x45: {  	(xrf0) =	vadd.scan.msk.s32 $0xffff, v14;
	_ =	sdelay $0x5  }
0x46: {  	(v2sf) =	vpush v12, $0xF;
	v62, _, _ =	vpop (xrf0)  }
0x47: {  	(v2sf) =	vpush v62, $0xF;
	_ =	sdelay $0x4  }
0x48: {  	s22 =	sadd.s32 $0x10, s22  }
0x49: {  	v60 =	vmov s22  }
0x4a: {  	v14 =	vshll.u32 v60, $0x9  }
0x4b: {  	v13 =	vmin.u32 v13, $0x139;
	v61 =	vor.u32 v1, v14  }
0x4c: {  	v63 =	vsel vm1, v4, v3;
	v12 =	vor.u32 v61, v13  }
0x4d: {  	(xrf1) =	vsort.ascd.msk.u32 $0xffff, v63, v12;
	_ =	sdelay $0x3  }
0x4e: {  	s26 =	spop (v2sf)  }
0x4f: {  	s28 =	sadd.s32 s21, s26;
	s29 =	spop (v2sf)  }
0x50: {  	s22 =	sadd.s32 s28, s29  }
0x51: {  	s21 =	sadd.s32 $0x3F, s22  }
0x52: {  	s30 =	sand.u32 $0x3F, s21  }
0x53: {  	s31 =	sshra.s32 s21, $0x1F;
	p1 =	slt.s32 s21, $0x1;
	p0 =	sne.s32 s30, $0x0  }
0x54: {  	s23 =	sshrl.u32 s31, $0x1A;
	p0 =	por !p1, !p0  }
0x55: {  	s21 =	sadd.s32 s23, s21;
	s23 =	simm.s32 $0x1;
	p0 =	por !p0, !p0  }
0x56: {  	s21 =	sshra.s32 s21, $0x6;
	s23 =	simm.s32 @!p0 $0x0  }
0x57: {  	s21 =	ssub.s32 s21, s23  }
0x58: {  	_, v12, _ =	vpop (xrf1);
	p0 =	sgt.s32 s21, $0x0  }
.Ltmp5:
0x59: {  	[tilespmem:s28+$0x1000] =	vst v12;
	(pc) =	sbr.rel @!p0 .LBB2_6-.Ltmp5, $4  }
0x5a: {  	[tilespmem:s22+$0x1000] =	vst v5  }
0x5b: {  	[tilespmem:s22+$0x1010] =	vst v6  }
0x5c: {  	[tilespmem:s22+$0x1020] =	vst v7  }
0x5d: {  	[tilespmem:s22+$0x1030] =	vst v8;
	s22 =	simm.s32 $0x1020  }
.LBB2_5:
0x5e: {  	v12 =	vld [tilespmem:s22+$0xFFFFFFE0];
	_ =	sdelay $0x4  }
0x5f: {  	v13 =	vshrl.u32 v12, $0x9  }
0x60: {  	[tilespmem:$0x2080] =	vst v13  }
0x61: {  	v14 =	vld [tilespmem:s22+$0xFFFFFFF0];
	_ =	sdelay $0x4  }
0x62: {  	v14 =	vshrl.u32 v14, $0x9  }
0x63: {  	[tilespmem:$0x2090] =	vst v14  }
0x64: {  	v14 =	vld [tilespmem:s22+$0x0];
	_ =	sdelay $0x3  }
0x65: {  	v12 =	vshrl.u32 v12, $0x8  }
0x66: {  	v13 =	vand.u32 $0x7, v13;
	v12 =	vand.u32 $0xFFFFF0, v12;
	v14 =	vshrl.u32 v14, $0x9  }
0x67: {  	v12 =	vor.u32 v13, v12;
	[tilespmem:$0x20A0] =	vst v14  }
0x68: {  	v60 =	vperm.xlane v12, v9;
	v59 =	vld [tilespmem:s22+$0x10];
	_ =	sdelay $0x1  }
0x69: {  	v12 =	vperm.xlane v12, v11;
	v14 =	vadd.s32 v10, v60;
	_ =	sdelay $0x1  }
0x6a: {  	v12 =	vadd.s32 v10, v12  }
0x6b: {  	v13 =	vshrl.u32 v59, $0x9  }
0x6c: {  	[tilespmem:$0x20B0] =	vst v13  }
0x6d: {  	[tilespmem:s10], [sflag:$0x1] =	stream.indirect_vreg.gather [hbm4b:s2+s5], $0x80, v14, vm0, $0xb8;
	[tilespmem:$0x1A100] =	vst v63  }
0x6e: {  	_ = 	snop  }
0x6f: {  	[tilespmem:s11], [sflag:$0x1] =	stream.indirect_vreg.gather [hbm4b:s2+s5], $0x80, v12, vm0, $0xb8;
	[tilespmem:$0x1A100] =	vst v63  }
0x70: {  	v12 =	vld [tilespmem:$0x2090];
	_ =	sdelay $0x4  }
0x71: {  	v61 =	vshll.u32 v12, $0x1  }
0x72: {  	v12 =	vand.u32 $0x7, v12;
	v13 =	vand.u32 $0xFFFFFFF0, v61  }
0x73: {  	v12 =	vor.u32 v12, v13  }
0x74: {  	v13 =	vperm.xlane v12, v9;
	_ =	sdelay $0x1  }
0x75: {  	v12 =	vperm.xlane v12, v11;
	v13 =	vadd.s32 v10, v13;
	_ =	sdelay $0x1  }
0x76: {  	v12 =	vadd.s32 v10, v12;
	_ =	sdelay $0x2  }
0x77: {  	[tilespmem:s12], [sflag:$0x1] =	stream.indirect_vreg.gather [hbm4b:s2+s5], $0x80, v13, vm0, $0xb8;
	[tilespmem:$0x1A100] =	vst v63  }
0x78: {  	_ = 	snop  }
0x79: {  	[tilespmem:s13], [sflag:$0x1] =	stream.indirect_vreg.gather [hbm4b:s2+s5], $0x80, v12, vm0, $0xb8;
	[tilespmem:$0x1A100] =	vst v63  }
0x7a: {  	v12 =	vld [tilespmem:$0x20A0];
	_ =	sdelay $0x4  }
0x7b: {  	v62 =	vshll.u32 v12, $0x1  }
0x7c: {  	v12 =	vand.u32 $0x7, v12;
	v13 =	vand.u32 $0xFFFFFFF0, v62  }
0x7d: {  	v12 =	vor.u32 v12, v13  }
0x7e: {  	v13 =	vperm.xlane v12, v9;
	_ =	sdelay $0x1  }
0x7f: {  	v12 =	vperm.xlane v12, v11;
	v13 =	vadd.s32 v10, v13;
	_ =	sdelay $0x1  }
0x80: {  	v12 =	vadd.s32 v10, v12;
	_ =	sdelay $0x2  }
0x81: {  	[tilespmem:s14], [sflag:$0x1] =	stream.indirect_vreg.gather [hbm4b:s2+s5], $0x80, v13, vm0, $0xb8;
	[tilespmem:$0x1A100] =	vst v63  }
0x82: {  	_ = 	snop  }
0x83: {  	[tilespmem:s15], [sflag:$0x1] =	stream.indirect_vreg.gather [hbm4b:s2+s5], $0x80, v12, vm0, $0xb8;
	[tilespmem:$0x1A100] =	vst v63  }
0x84: {  	v12 =	vld [tilespmem:$0x20B0];
	_ =	sdelay $0x4  }
0x85: {  	v63 =	vshll.u32 v12, $0x1  }
0x86: {  	v12 =	vand.u32 $0x7, v12;
	v13 =	vand.u32 $0xFFFFFFF0, v63  }
0x87: {  	v12 =	vor.u32 v12, v13  }
0x88: {  	v13 =	vperm.xlane v12, v9;
	_ =	sdelay $0x1  }
0x89: {  	v12 =	vperm.xlane v12, v11;
	v13 =	vadd.s32 v10, v13;
	_ =	sdelay $0x1  }
0x8a: {  	v12 =	vadd.s32 v10, v12;
	_ =	sdelay $0x1  }
0x8b: {  	p0 =	sne.s32 s21, $0x1  }
0x8c: {  	[tilespmem:s16], [sflag:$0x1] =	stream.indirect_vreg.gather [hbm4b:s2+s5], $0x80, v13, vm0, $0xb8;
	[tilespmem:$0x1A100] =	vst v63  }
.Ltmp6:
0x8d: {  	_ = 	snop;
	(pc) =	sbr.rel @p0 .LBB2_5-.Ltmp6, $4  }
0x8e: {  	[tilespmem:s17], [sflag:$0x1] =	stream.indirect_vreg.gather [hbm4b:s2+s5], $0x80, v12, vm0, $0xb8;
	[tilespmem:$0x1A100] =	vst v63  }
0x8f: {  	_ =	swait.ge [sflag:s9], $0x4000  }
0x90: {  	[sflag:s9] =	ssyncset.done $0x0  }
0x91: {  	s21 =	sadd.s32 $0xFFFFFFFF, s21;
	s22 =	sadd.s32 $0x40, s22;
	[sflag:s9] =	ssyncadd.s32 $0xFFFFC000  }
.Ltmp7:
0x92: {  	_ = 	snop;
	(pc) =	sbr.rel .LBB2_6-.Ltmp7, $1  }
0x93: {  	_ =	sdelay $0x3  }
.LBB2_8:
0x94: {  	_ =	sfence.sel $0x180000  }
0x95: {  	[bflag:$0x0] =	sbarrier.arrive $0xFFFF  }
0x96: {  	p0 =	sne.s32 s1, $0x0;
	_ =	strace $0x90000047  }
0x97: {  	s0 =	sadd.s32 @!p0 $0x100000, s3;
	[bflag:$0x2] =	sbarrier.arrive $0xFFFF  }
0x98: {  	[sflag:s0] =	ssyncadd.tile.s32 @!p0 $0x1;
	_ =	shalt  }
.Lfunc_end2:
_tile_overlayer_lowered:
.L_overlay_start_2:
0x99: {  	(tag) =	ssettag $0x2  }
0x9a: {  	s0 =	rddreg [dreg:$0x0];
	s2 =	stileid.u32  }
0x9b: {  	s1 =	rddreg [dreg:$0x1];
	p0 =	sne.s32 s2, $0x0  }
0x9c: {  	s3 =	rddreg [dreg:$0x2];
	[bflag:$0x3] =	sbarrier.arrive $0xFFFF;
	s2 =	simm.s32 @!p0 $0x1C01  }
0x9d: {  	[timem:s3], [sflag:s2] =	dma.local @!p0 [hbm:s0], s1  }
0x9e: {  	s0 =	simm.s32 @!p0 $0x1  }
0x9f: {  	_ =	swait.ge @!p0 [sflag:s0], s1  }
0xa0: {  	s1 =	ssub.s32 @!p0 $0x0, s1;
	[sflag:s0] =	ssyncset.done @!p0 $0x0  }
0xa1: {  	[sflag:s0] =	ssyncadd.s32 @!p0 s1  }
0xa2: {  	[bflag:$0x3] =	sbarrier.arrive $0xFFFF  }
0xa3: {  	_ =	shalt  }

</sc_bundles>
